<compile_context>
chip_gen: v7x
topology: tpu7x:2x2x1
jax: 0.10.2.dev20260603
libtpu: 0.0.44.dev20260713+nightly
codegen_flags: <defaults>
</compile_context>

<pallas_src>
import functools

import jax
import jax.numpy as jnp
from jax import lax
from jax.experimental import pallas as pl
from jax.experimental.pallas import tpu as pltpu
from jax.experimental.pallas import tpu_sc as plsc

NC = 2
NS = 16
NW = NC * NS
K = 128


def _make_spmm(n_nodes, d, n_chunks, acc_rows):
    del n_nodes
    rows_per_tile = acc_rows // NS
    mesh = plsc.VectorSubcoreMesh(core_axis_name="c", subcore_axis_name="s")

    @functools.partial(
        pl.kernel,
        out_type=jax.ShapeDtypeStruct((NC, acc_rows, d), jnp.float32),
        mesh=mesh,
        scratch_types=[
            pltpu.VMEM((n_chunks // 2, K), jnp.int32),
            pltpu.VMEM((n_chunks // 2, K), jnp.int32),
            pltpu.VMEM((K, d), jnp.float32),
            pltpu.VMEM((K, d), jnp.float32),
            pltpu.VMEM_SHARED((acc_rows, d), jnp.float32),
            pltpu.SemaphoreType.DMA,
            pltpu.SemaphoreType.DMA,
        ],
    )
    def spmm(h_hbm, src_hbm, dst_hbm, zeros_hbm, out_hbm,
             src_v, dst_v, rows0, rows1, acc, sem0, sem1):
        c = lax.axis_index("c")
        s = lax.axis_index("s")
        wid = s * NC + c

        half = n_chunks // 2
        pltpu.async_copy(src_hbm.at[wid].at[pl.ds(0, half)], src_v, sem0)
        pltpu.async_copy(dst_hbm.at[wid].at[pl.ds(0, half)], dst_v, sem1)
        pltpu.sync_copy(zeros_hbm, rows0)
        for z in range(rows_per_tile // K):
            pltpu.sync_copy(rows0, acc.at[pl.ds(s * rows_per_tile + z * K, K)])
        pltpu.make_async_copy(src_hbm.at[wid].at[pl.ds(0, half)], src_v,
                              sem0).wait()
        pltpu.make_async_copy(dst_hbm.at[wid].at[pl.ds(0, half)], dst_v,
                              sem1).wait()

        plsc.subcore_barrier()

        for h in range(2):
            if h == 1:
                pltpu.sync_copy(src_hbm.at[wid].at[pl.ds(half, half)], src_v)
                pltpu.sync_copy(dst_hbm.at[wid].at[pl.ds(half, half)], dst_v)
            pltpu.async_copy(h_hbm.at[dst_v.at[0]], rows0, sem0)

            @pl.loop(0, half // 2)
            def _pair(g):
                j0 = 2 * g
                pltpu.make_async_copy(h_hbm.at[dst_v.at[j0]], rows0, sem0).wait()
                pltpu.async_copy(h_hbm.at[dst_v.at[j0 + 1]], rows1, sem1)
                pltpu.sync_copy(rows0, acc.at[src_v.at[j0]], add=True)
                pltpu.make_async_copy(h_hbm.at[dst_v.at[j0 + 1]], rows1,
                                      sem1).wait()

                @pl.when(g < half // 2 - 1)
                def _():
                    pltpu.async_copy(h_hbm.at[dst_v.at[j0 + 2]], rows0, sem0)

                pltpu.sync_copy(rows1, acc.at[src_v.at[j0 + 1]], add=True)

        plsc.subcore_barrier()
        pltpu.sync_copy(acc.at[pl.ds(s * rows_per_tile, rows_per_tile)],
                        out_hbm.at[c].at[pl.ds(s * rows_per_tile, rows_per_tile)])

    return spmm


def _mm_relu_body(x_ref, w_ref, b_ref, o_ref):
    y = jnp.dot(x_ref[...], w_ref[...], preferred_element_type=jnp.float32)
    o_ref[...] = jnp.maximum(y + b_ref[...], 0.0)


def _sum_mm_relu_body(sa_ref, sb_ref, w_ref, b_ref, o_ref):
    x = sa_ref[0] + sb_ref[0]
    y = jnp.dot(x, w_ref[...], preferred_element_type=jnp.float32)
    o_ref[...] = jnp.maximum(y + b_ref[...], 0.0)


def _sum_mm_body(sa_ref, sb_ref, w_ref, b_ref, o_ref):
    x = sa_ref[0] + sb_ref[0]
    y = jnp.dot(x, w_ref[...], preferred_element_type=jnp.float32)
    o_ref[...] = y + b_ref[...]


def _full(shape):
    return pl.BlockSpec(shape, lambda i: (0, 0))


def _rows(bn, dcols):
    return pl.BlockSpec((bn, dcols), lambda i: (i, 0))


def kernel(node_features, edge_index, rank_mapping, W1, b1, W2, b2, Wfc, bfc):
    n = node_features.shape[1]
    d_in = node_features.shape[2]
    d_hid = W1.shape[1]
    n_cls = Wfc.shape[1]
    e = edge_index.shape[2]

    n_chunks = -(-e // (NW * K))
    n_chunks = ((n_chunks + 3) // 4) * 4
    e_pad = NW * n_chunks * K
    acc_rows = ((n + NS * K - 1) // (NS * K)) * NS * K

    src = edge_index[0, 0, :]
    dst = edge_index[0, 1, :]
    pad = e_pad - e
    pad_iota = jnp.arange(pad, dtype=jnp.int32)
    src_p = jnp.concatenate([src, n + pad_iota % (acc_rows - n)])
    dst_p = jnp.concatenate([dst, pad_iota % n])
    src_p = src_p.reshape(NW, n_chunks, K)
    dst_p = dst_p.reshape(NW, n_chunks, K)

    x = node_features[0]
    bn = 1000
    grid = (n // bn,)

    h1 = pl.pallas_call(
        _mm_relu_body,
        grid=grid,
        in_specs=[_rows(bn, d_in), _full((d_in, d_hid)), _full((1, d_hid))],
        out_specs=_rows(bn, d_hid),
        out_shape=jax.ShapeDtypeStruct((n, d_hid), jnp.float32),
    )(x, W1, b1.reshape(1, d_hid))

    zeros_h = jnp.zeros((K, d_hid), jnp.float32)
    s1 = _make_spmm(n, d_hid, n_chunks, acc_rows)(h1, src_p, dst_p, zeros_h)

    def _core_rows(cc):
        return pl.BlockSpec((1, bn, d_hid), lambda i, _c=cc: (_c, i, 0))

    h2 = pl.pallas_call(
        _sum_mm_relu_body,
        grid=grid,
        in_specs=[_core_rows(0), _core_rows(1),
                  _full((d_hid, d_hid)), _full((1, d_hid))],
        out_specs=_rows(bn, d_hid),
        out_shape=jax.ShapeDtypeStruct((n, d_hid), jnp.float32),
    )(s1, s1, W2, b2.reshape(1, d_hid))

    s2 = _make_spmm(n, d_hid, n_chunks, acc_rows)(h2, src_p, dst_p, zeros_h)

    out = pl.pallas_call(
        _sum_mm_body,
        grid=grid,
        in_specs=[_core_rows(0), _core_rows(1),
                  _full((d_hid, n_cls)), _full((1, n_cls))],
        out_specs=_rows(bn, n_cls),
        out_shape=jax.ShapeDtypeStruct((n, n_cls), jnp.float32),
    )(s2, s2, Wfc, bfc.reshape(1, n_cls))

    return out[None]

# --- scband reference (transcript-rebuilt; emitter-appended) ---
"""Pipeline reference for scband-comm-aware-gcn-6365141533264 (READ-ONLY COPY).

The authoritative reference and input builder live on the scoring server;
editing this copy changes nothing except your own understanding.
"""

import jax, jax.numpy as jnp
import numpy as np

N_NODES = 10000
N_EDGES = 320000
D_IN = 128
D_HID = 128
N_CLASSES = 64


def setup_inputs(seed: int = 0) -> dict:
    key = jax.random.key(seed)
    ks = jax.random.split(key, 9)
    node_features = jax.random.normal(ks[0], (1, N_NODES, D_IN), dtype=jnp.float32)
    edge_index = jax.random.randint(ks[1], (1, 2, N_EDGES), 0, N_NODES, dtype=jnp.int32)
    rank_mapping = jnp.zeros((2, N_NODES), dtype=jnp.int32)
    s1 = 1.0 / np.sqrt(D_IN)
    s2 = 1.0 / np.sqrt(D_HID)
    W1 = jax.random.uniform(ks[2], (D_IN, D_HID), jnp.float32, -s1, s1)
    b1 = jax.random.uniform(ks[3], (D_HID,), jnp.float32, -s1, s1)
    W2 = jax.random.uniform(ks[4], (D_HID, D_HID), jnp.float32, -s2, s2)
    b2 = jax.random.uniform(ks[5], (D_HID,), jnp.float32, -s2, s2)
    Wfc = jax.random.uniform(ks[6], (D_HID, N_CLASSES), jnp.float32, -s2, s2)
    bfc = jax.random.uniform(ks[7], (N_CLASSES,), jnp.float32, -s2, s2)
    return {
        "node_features": node_features,
        "edge_index": edge_index,
        "rank_mapping": rank_mapping,
        "W1": W1, "b1": b1, "W2": W2, "b2": b2, "Wfc": Wfc, "bfc": bfc,
    }


def reference(node_features, edge_index, rank_mapping, W1, b1, W2, b2, Wfc, bfc):
    # Single-rank emulation of CommAwareGCN.forward:
    #   comm.gather  -> per-edge gather of dst-node features
    #   comm.scatter -> scatter-add of edge messages into src nodes
    num_local_nodes = node_features.shape[1]
    src = edge_index[:, 0, :]  # [1, E]
    dst = edge_index[:, 1, :]  # [1, E]

    # Gather_1: pull dst-node features onto edges
    x = jnp.take(node_features[0], dst[0], axis=0)  # [E, D_IN]
    # Conv_1: Linear + ReLU
    x = jax.nn.relu(x @ W1 + b1)
    # Scatter_1: scatter-add back to local nodes by src index
    x = jax.ops.segment_sum(x, src[0], num_segments=num_local_nodes)  # [N, H]
    # Gather_2
    x = jnp.take(x, dst[0], axis=0)  # [E, H]
    # Conv_2
    x = jax.nn.relu(x @ W2 + b2)
    # Scatter_2
    x = jax.ops.segment_sum(x, src[0], num_segments=num_local_nodes)  # [N, H]
    # Final_FC (softmax is defined but not applied in the torch forward)
    x = x @ Wfc + bfc  # [N, C]
    return x[None]  # [1, N, C]

if __name__ == "__main__":
    import jax
    _d = setup_inputs()
    print(jax.jit(kernel)(*tuple(_d.values())))

</pallas_src>

<mosaic_0001>
#map = affine_map<(d0, d1) -> (0, 0)>
#map1 = affine_map<(d0, d1) -> (0, 0, 0)>
module attributes {stable_mosaic.version = 14 : i64} {
  func.func @spmm(%arg0: i32, %arg1: i32, %arg2: memref<10000x128xf32, #tpu.memory_space<hbm>>, %arg3: memref<32x80x128xi32, #tpu.memory_space<hbm>>, %arg4: memref<32x80x128xi32, #tpu.memory_space<hbm>>, %arg5: memref<128x128xf32, #tpu.memory_space<hbm>>, %arg6: memref<2x10240x128xf32, #tpu.memory_space<hbm>>, %arg7: memref<40x128xi32, #tpu.memory_space<vmem>>, %arg8: memref<40x128xi32, #tpu.memory_space<vmem>>, %arg9: memref<128x128xf32, #tpu.memory_space<vmem>>, %arg10: memref<128x128xf32, #tpu.memory_space<vmem>>, %arg11: memref<10240x128xf32, #tpu.memory_space<vmem_shared>>, %arg12: memref<!tpu.dma_semaphore, #tpu.memory_space<semaphore_mem>>, %arg13: memref<!tpu.dma_semaphore, #tpu.memory_space<semaphore_mem>>) attributes {dimension_semantics = [#tpu.dimension_semantics<core_parallel>, #tpu.dimension_semantics<subcore_parallel>], iteration_bounds = array<i64: 2, 16>, scalar_prefetch = 0 : i64, scratch_operands = 7 : i64, tpu.core_type = #tpu.core_type<sc_vector_subcore>, window_params = [{transform_indices = #map}, {transform_indices = #map1}, {transform_indices = #map1}, {transform_indices = #map}, {transform_indices = #map1}]} {
    %mul3A = arith.constant 2 : i32
    %mul3A_0 = arith.muli %arg1, %mul3A : i32
    %add3A = arith.addi %mul3A_0, %arg0 : i32
    %dma_start3A = arith.constant 0 : i32
    %dma_start3A_1 = arith.constant 0 : i32
    %dma_start3A_2 = tpu.memref_slice %arg3[%add3A, %dma_start3A, %dma_start3A_1] : memref<32x80x128xi32, #tpu.memory_space<hbm>> -> memref<1x80x128xi32, #tpu.memory_space<hbm>>
    %dma_start3A_3 = tpu.memref_squeeze %dma_start3A_2 : memref<1x80x128xi32, #tpu.memory_space<hbm>> -> memref<80x128xi32, #tpu.memory_space<hbm>>
    %dma_start3A_4 = arith.constant 0 : i32
    %dma_start3A_5 = arith.constant 0 : i32
    %dma_start3A_6 = tpu.memref_slice %dma_start3A_3[%dma_start3A_4, %dma_start3A_5] : memref<80x128xi32, #tpu.memory_space<hbm>> -> memref<40x128xi32, #tpu.memory_space<hbm>>
    %dma_start3A_7 = arith.constant 0 : i32
    %dma_start3A_8 = arith.constant 0 : i32
    %dma_start3A_9 = tpu.memref_slice %arg3[%add3A, %dma_start3A_7, %dma_start3A_8] : memref<32x80x128xi32, #tpu.memory_space<hbm>> -> memref<1x80x128xi32, #tpu.memory_space<hbm>>
    %dma_start3A_10 = tpu.memref_squeeze %dma_start3A_9 : memref<1x80x128xi32, #tpu.memory_space<hbm>> -> memref<80x128xi32, #tpu.memory_space<hbm>>
    %dma_start3A_11 = arith.constant 0 : i32
    %dma_start3A_12 = arith.constant 0 : i32
    %dma_start3A_13 = tpu.memref_slice %dma_start3A_10[%dma_start3A_11, %dma_start3A_12] : memref<80x128xi32, #tpu.memory_space<hbm>> -> memref<40x128xi32, #tpu.memory_space<hbm>>
    tpu.enqueue_dma source(%dma_start3A_13 : memref<40x128xi32, #tpu.memory_space<hbm>>) target(%arg7 : memref<40x128xi32, #tpu.memory_space<vmem>>) target_semaphore(%arg12 : memref<!tpu.dma_semaphore, #tpu.memory_space<semaphore_mem>>)
    %dma_start3A_14 = arith.constant 0 : i32
    %dma_start3A_15 = arith.constant 0 : i32
    %dma_start3A_16 = tpu.memref_slice %arg4[%add3A, %dma_start3A_14, %dma_start3A_15] : memref<32x80x128xi32, #tpu.memory_space<hbm>> -> memref<1x80x128xi32, #tpu.memory_space<hbm>>
    %dma_start3A_17 = tpu.memref_squeeze %dma_start3A_16 : memref<1x80x128xi32, #tpu.memory_space<hbm>> -> memref<80x128xi32, #tpu.memory_space<hbm>>
    %dma_start3A_18 = arith.constant 0 : i32
    %dma_start3A_19 = arith.constant 0 : i32
    %dma_start3A_20 = tpu.memref_slice %dma_start3A_17[%dma_start3A_18, %dma_start3A_19] : memref<80x128xi32, #tpu.memory_space<hbm>> -> memref<40x128xi32, #tpu.memory_space<hbm>>
    %dma_start3A_21 = arith.constant 0 : i32
    %dma_start3A_22 = arith.constant 0 : i32
    %dma_start3A_23 = tpu.memref_slice %arg4[%add3A, %dma_start3A_21, %dma_start3A_22] : memref<32x80x128xi32, #tpu.memory_space<hbm>> -> memref<1x80x128xi32, #tpu.memory_space<hbm>>
    %dma_start3A_24 = tpu.memref_squeeze %dma_start3A_23 : memref<1x80x128xi32, #tpu.memory_space<hbm>> -> memref<80x128xi32, #tpu.memory_space<hbm>>
    %dma_start3A_25 = arith.constant 0 : i32
    %dma_start3A_26 = arith.constant 0 : i32
    %dma_start3A_27 = tpu.memref_slice %dma_start3A_24[%dma_start3A_25, %dma_start3A_26] : memref<80x128xi32, #tpu.memory_space<hbm>> -> memref<40x128xi32, #tpu.memory_space<hbm>>
    tpu.enqueue_dma source(%dma_start3A_27 : memref<40x128xi32, #tpu.memory_space<hbm>>) target(%arg8 : memref<40x128xi32, #tpu.memory_space<vmem>>) target_semaphore(%arg13 : memref<!tpu.dma_semaphore, #tpu.memory_space<semaphore_mem>>)
    "tpu.region"() ({
      %run_scoped3A = tpu.sem_alloc : memref<!tpu.dma_semaphore, #tpu.memory_space<semaphore_mem>>
      tpu.enqueue_dma source(%arg5 : memref<128x128xf32, #tpu.memory_space<hbm>>) target(%arg9 : memref<128x128xf32, #tpu.memory_space<vmem>>) target_semaphore(%run_scoped3A : memref<!tpu.dma_semaphore, #tpu.memory_space<semaphore_mem>>)
      tpu.wait_dma2 semaphore(%run_scoped3A : memref<!tpu.dma_semaphore, #tpu.memory_space<semaphore_mem>>) src(%arg5 : memref<128x128xf32, #tpu.memory_space<hbm>>) dst(%arg9 : memref<128x128xf32, #tpu.memory_space<vmem>>)
      tpu.yield
    }) : () -> ()
    %mul3A_28 = arith.constant 640 : i32
    %mul3A_29 = arith.muli %arg1, %mul3A_28 : i32
    %add3A_30 = arith.constant 0 : i32
    %add3A_31 = arith.addi %mul3A_29, %add3A_30 : i32
    "tpu.region"() ({
      %run_scoped3A = tpu.sem_alloc : memref<!tpu.dma_semaphore, #tpu.memory_space<semaphore_mem>>
      %dma_start3A_103 = arith.constant 0 : i32
      %dma_start3A_104 = tpu.memref_slice %arg11[%add3A_31, %dma_start3A_103] : memref<10240x128xf32, #tpu.memory_space<vmem_shared>> -> memref<128x128xf32, #tpu.memory_space<vmem_shared>>
      %dma_start3A_105 = arith.constant 0 : i32
      %dma_start3A_106 = tpu.memref_slice %arg11[%add3A_31, %dma_start3A_105] : memref<10240x128xf32, #tpu.memory_space<vmem_shared>> -> memref<128x128xf32, #tpu.memory_space<vmem_shared>>
      tpu.enqueue_dma source(%arg9 : memref<128x128xf32, #tpu.memory_space<vmem>>) target(%dma_start3A_106 : memref<128x128xf32, #tpu.memory_space<vmem_shared>>) target_semaphore(%run_scoped3A : memref<!tpu.dma_semaphore, #tpu.memory_space<semaphore_mem>>)
      %dma_wait3A_107 = arith.constant 0 : i32
      %dma_wait3A_108 = tpu.memref_slice %arg11[%add3A_31, %dma_wait3A_107] : memref<10240x128xf32, #tpu.memory_space<vmem_shared>> -> memref<128x128xf32, #tpu.memory_space<vmem_shared>>
      %dma_wait3A_109 = arith.constant 0 : i32
      %dma_wait3A_110 = tpu.memref_slice %arg11[%add3A_31, %dma_wait3A_109] : memref<10240x128xf32, #tpu.memory_space<vmem_shared>> -> memref<128x128xf32, #tpu.memory_space<vmem_shared>>
      tpu.wait_dma2 semaphore(%run_scoped3A : memref<!tpu.dma_semaphore, #tpu.memory_space<semaphore_mem>>) src(%arg9 : memref<128x128xf32, #tpu.memory_space<vmem>>) dst(%dma_wait3A_110 : memref<128x128xf32, #tpu.memory_space<vmem_shared>>)
      tpu.yield
    }) : () -> ()
    %mul3A_32 = arith.constant 640 : i32
    %mul3A_33 = arith.muli %arg1, %mul3A_32 : i32
    %add3A_34 = arith.constant 128 : i32
    %add3A_35 = arith.addi %mul3A_33, %add3A_34 : i32
    "tpu.region"() ({
      %run_scoped3A = tpu.sem_alloc : memref<!tpu.dma_semaphore, #tpu.memory_space<semaphore_mem>>
      %dma_start3A_103 = arith.constant 0 : i32
      %dma_start3A_104 = tpu.memref_slice %arg11[%add3A_35, %dma_start3A_103] : memref<10240x128xf32, #tpu.memory_space<vmem_shared>> -> memref<128x128xf32, #tpu.memory_space<vmem_shared>>
      %dma_start3A_105 = arith.constant 0 : i32
      %dma_start3A_106 = tpu.memref_slice %arg11[%add3A_35, %dma_start3A_105] : memref<10240x128xf32, #tpu.memory_space<vmem_shared>> -> memref<128x128xf32, #tpu.memory_space<vmem_shared>>
      tpu.enqueue_dma source(%arg9 : memref<128x128xf32, #tpu.memory_space<vmem>>) target(%dma_start3A_106 : memref<128x128xf32, #tpu.memory_space<vmem_shared>>) target_semaphore(%run_scoped3A : memref<!tpu.dma_semaphore, #tpu.memory_space<semaphore_mem>>)
      %dma_wait3A_107 = arith.constant 0 : i32
      %dma_wait3A_108 = tpu.memref_slice %arg11[%add3A_35, %dma_wait3A_107] : memref<10240x128xf32, #tpu.memory_space<vmem_shared>> -> memref<128x128xf32, #tpu.memory_space<vmem_shared>>
      %dma_wait3A_109 = arith.constant 0 : i32
      %dma_wait3A_110 = tpu.memref_slice %arg11[%add3A_35, %dma_wait3A_109] : memref<10240x128xf32, #tpu.memory_space<vmem_shared>> -> memref<128x128xf32, #tpu.memory_space<vmem_shared>>
      tpu.wait_dma2 semaphore(%run_scoped3A : memref<!tpu.dma_semaphore, #tpu.memory_space<semaphore_mem>>) src(%arg9 : memref<128x128xf32, #tpu.memory_space<vmem>>) dst(%dma_wait3A_110 : memref<128x128xf32, #tpu.memory_space<vmem_shared>>)
      tpu.yield
    }) : () -> ()
    %mul3A_36 = arith.constant 640 : i32
    %mul3A_37 = arith.muli %arg1, %mul3A_36 : i32
    %add3A_38 = arith.constant 256 : i32
    %add3A_39 = arith.addi %mul3A_37, %add3A_38 : i32
    "tpu.region"() ({
      %run_scoped3A = tpu.sem_alloc : memref<!tpu.dma_semaphore, #tpu.memory_space<semaphore_mem>>
      %dma_start3A_103 = arith.constant 0 : i32
      %dma_start3A_104 = tpu.memref_slice %arg11[%add3A_39, %dma_start3A_103] : memref<10240x128xf32, #tpu.memory_space<vmem_shared>> -> memref<128x128xf32, #tpu.memory_space<vmem_shared>>
      %dma_start3A_105 = arith.constant 0 : i32
      %dma_start3A_106 = tpu.memref_slice %arg11[%add3A_39, %dma_start3A_105] : memref<10240x128xf32, #tpu.memory_space<vmem_shared>> -> memref<128x128xf32, #tpu.memory_space<vmem_shared>>
      tpu.enqueue_dma source(%arg9 : memref<128x128xf32, #tpu.memory_space<vmem>>) target(%dma_start3A_106 : memref<128x128xf32, #tpu.memory_space<vmem_shared>>) target_semaphore(%run_scoped3A : memref<!tpu.dma_semaphore, #tpu.memory_space<semaphore_mem>>)
      %dma_wait3A_107 = arith.constant 0 : i32
      %dma_wait3A_108 = tpu.memref_slice %arg11[%add3A_39, %dma_wait3A_107] : memref<10240x128xf32, #tpu.memory_space<vmem_shared>> -> memref<128x128xf32, #tpu.memory_space<vmem_shared>>
      %dma_wait3A_109 = arith.constant 0 : i32
      %dma_wait3A_110 = tpu.memref_slice %arg11[%add3A_39, %dma_wait3A_109] : memref<10240x128xf32, #tpu.memory_space<vmem_shared>> -> memref<128x128xf32, #tpu.memory_space<vmem_shared>>
      tpu.wait_dma2 semaphore(%run_scoped3A : memref<!tpu.dma_semaphore, #tpu.memory_space<semaphore_mem>>) src(%arg9 : memref<128x128xf32, #tpu.memory_space<vmem>>) dst(%dma_wait3A_110 : memref<128x128xf32, #tpu.memory_space<vmem_shared>>)
      tpu.yield
    }) : () -> ()
    %mul3A_40 = arith.constant 640 : i32
    %mul3A_41 = arith.muli %arg1, %mul3A_40 : i32
    %add3A_42 = arith.constant 384 : i32
    %add3A_43 = arith.addi %mul3A_41, %add3A_42 : i32
    "tpu.region"() ({
      %run_scoped3A = tpu.sem_alloc : memref<!tpu.dma_semaphore, #tpu.memory_space<semaphore_mem>>
      %dma_start3A_103 = arith.constant 0 : i32
      %dma_start3A_104 = tpu.memref_slice %arg11[%add3A_43, %dma_start3A_103] : memref<10240x128xf32, #tpu.memory_space<vmem_shared>> -> memref<128x128xf32, #tpu.memory_space<vmem_shared>>
      %dma_start3A_105 = arith.constant 0 : i32
      %dma_start3A_106 = tpu.memref_slice %arg11[%add3A_43, %dma_start3A_105] : memref<10240x128xf32, #tpu.memory_space<vmem_shared>> -> memref<128x128xf32, #tpu.memory_space<vmem_shared>>
      tpu.enqueue_dma source(%arg9 : memref<128x128xf32, #tpu.memory_space<vmem>>) target(%dma_start3A_106 : memref<128x128xf32, #tpu.memory_space<vmem_shared>>) target_semaphore(%run_scoped3A : memref<!tpu.dma_semaphore, #tpu.memory_space<semaphore_mem>>)
      %dma_wait3A_107 = arith.constant 0 : i32
      %dma_wait3A_108 = tpu.memref_slice %arg11[%add3A_43, %dma_wait3A_107] : memref<10240x128xf32, #tpu.memory_space<vmem_shared>> -> memref<128x128xf32, #tpu.memory_space<vmem_shared>>
      %dma_wait3A_109 = arith.constant 0 : i32
      %dma_wait3A_110 = tpu.memref_slice %arg11[%add3A_43, %dma_wait3A_109] : memref<10240x128xf32, #tpu.memory_space<vmem_shared>> -> memref<128x128xf32, #tpu.memory_space<vmem_shared>>
      tpu.wait_dma2 semaphore(%run_scoped3A : memref<!tpu.dma_semaphore, #tpu.memory_space<semaphore_mem>>) src(%arg9 : memref<128x128xf32, #tpu.memory_space<vmem>>) dst(%dma_wait3A_110 : memref<128x128xf32, #tpu.memory_space<vmem_shared>>)
      tpu.yield
    }) : () -> ()
    %mul3A_44 = arith.constant 640 : i32
    %mul3A_45 = arith.muli %arg1, %mul3A_44 : i32
    %add3A_46 = arith.constant 512 : i32
    %add3A_47 = arith.addi %mul3A_45, %add3A_46 : i32
    "tpu.region"() ({
      %run_scoped3A = tpu.sem_alloc : memref<!tpu.dma_semaphore, #tpu.memory_space<semaphore_mem>>
      %dma_start3A_103 = arith.constant 0 : i32
      %dma_start3A_104 = tpu.memref_slice %arg11[%add3A_47, %dma_start3A_103] : memref<10240x128xf32, #tpu.memory_space<vmem_shared>> -> memref<128x128xf32, #tpu.memory_space<vmem_shared>>
      %dma_start3A_105 = arith.constant 0 : i32
      %dma_start3A_106 = tpu.memref_slice %arg11[%add3A_47, %dma_start3A_105] : memref<10240x128xf32, #tpu.memory_space<vmem_shared>> -> memref<128x128xf32, #tpu.memory_space<vmem_shared>>
      tpu.enqueue_dma source(%arg9 : memref<128x128xf32, #tpu.memory_space<vmem>>) target(%dma_start3A_106 : memref<128x128xf32, #tpu.memory_space<vmem_shared>>) target_semaphore(%run_scoped3A : memref<!tpu.dma_semaphore, #tpu.memory_space<semaphore_mem>>)
      %dma_wait3A_107 = arith.constant 0 : i32
      %dma_wait3A_108 = tpu.memref_slice %arg11[%add3A_47, %dma_wait3A_107] : memref<10240x128xf32, #tpu.memory_space<vmem_shared>> -> memref<128x128xf32, #tpu.memory_space<vmem_shared>>
      %dma_wait3A_109 = arith.constant 0 : i32
      %dma_wait3A_110 = tpu.memref_slice %arg11[%add3A_47, %dma_wait3A_109] : memref<10240x128xf32, #tpu.memory_space<vmem_shared>> -> memref<128x128xf32, #tpu.memory_space<vmem_shared>>
      tpu.wait_dma2 semaphore(%run_scoped3A : memref<!tpu.dma_semaphore, #tpu.memory_space<semaphore_mem>>) src(%arg9 : memref<128x128xf32, #tpu.memory_space<vmem>>) dst(%dma_wait3A_110 : memref<128x128xf32, #tpu.memory_space<vmem_shared>>)
      tpu.yield
    }) : () -> ()
    %dma_wait3A = arith.constant 0 : i32
    %dma_wait3A_48 = arith.constant 0 : i32
    %dma_wait3A_49 = tpu.memref_slice %arg3[%add3A, %dma_wait3A, %dma_wait3A_48] : memref<32x80x128xi32, #tpu.memory_space<hbm>> -> memref<1x80x128xi32, #tpu.memory_space<hbm>>
    %dma_wait3A_50 = tpu.memref_squeeze %dma_wait3A_49 : memref<1x80x128xi32, #tpu.memory_space<hbm>> -> memref<80x128xi32, #tpu.memory_space<hbm>>
    %dma_wait3A_51 = arith.constant 0 : i32
    %dma_wait3A_52 = arith.constant 0 : i32
    %dma_wait3A_53 = tpu.memref_slice %dma_wait3A_50[%dma_wait3A_51, %dma_wait3A_52] : memref<80x128xi32, #tpu.memory_space<hbm>> -> memref<40x128xi32, #tpu.memory_space<hbm>>
    %dma_wait3A_54 = arith.constant 0 : i32
    %dma_wait3A_55 = arith.constant 0 : i32
    %dma_wait3A_56 = tpu.memref_slice %arg3[%add3A, %dma_wait3A_54, %dma_wait3A_55] : memref<32x80x128xi32, #tpu.memory_space<hbm>> -> memref<1x80x128xi32, #tpu.memory_space<hbm>>
    %dma_wait3A_57 = tpu.memref_squeeze %dma_wait3A_56 : memref<1x80x128xi32, #tpu.memory_space<hbm>> -> memref<80x128xi32, #tpu.memory_space<hbm>>
    %dma_wait3A_58 = arith.constant 0 : i32
    %dma_wait3A_59 = arith.constant 0 : i32
    %dma_wait3A_60 = tpu.memref_slice %dma_wait3A_57[%dma_wait3A_58, %dma_wait3A_59] : memref<80x128xi32, #tpu.memory_space<hbm>> -> memref<40x128xi32, #tpu.memory_space<hbm>>
    tpu.wait_dma2 semaphore(%arg12 : memref<!tpu.dma_semaphore, #tpu.memory_space<semaphore_mem>>) src(%dma_wait3A_60 : memref<40x128xi32, #tpu.memory_space<hbm>>) dst(%arg7 : memref<40x128xi32, #tpu.memory_space<vmem>>)
    %dma_wait3A_61 = arith.constant 0 : i32
    %dma_wait3A_62 = arith.constant 0 : i32
    %dma_wait3A_63 = tpu.memref_slice %arg4[%add3A, %dma_wait3A_61, %dma_wait3A_62] : memref<32x80x128xi32, #tpu.memory_space<hbm>> -> memref<1x80x128xi32, #tpu.memory_space<hbm>>
    %dma_wait3A_64 = tpu.memref_squeeze %dma_wait3A_63 : memref<1x80x128xi32, #tpu.memory_space<hbm>> -> memref<80x128xi32, #tpu.memory_space<hbm>>
    %dma_wait3A_65 = arith.constant 0 : i32
    %dma_wait3A_66 = arith.constant 0 : i32
    %dma_wait3A_67 = tpu.memref_slice %dma_wait3A_64[%dma_wait3A_65, %dma_wait3A_66] : memref<80x128xi32, #tpu.memory_space<hbm>> -> memref<40x128xi32, #tpu.memory_space<hbm>>
    %dma_wait3A_68 = arith.constant 0 : i32
    %dma_wait3A_69 = arith.constant 0 : i32
    %dma_wait3A_70 = tpu.memref_slice %arg4[%add3A, %dma_wait3A_68, %dma_wait3A_69] : memref<32x80x128xi32, #tpu.memory_space<hbm>> -> memref<1x80x128xi32, #tpu.memory_space<hbm>>
    %dma_wait3A_71 = tpu.memref_squeeze %dma_wait3A_70 : memref<1x80x128xi32, #tpu.memory_space<hbm>> -> memref<80x128xi32, #tpu.memory_space<hbm>>
    %dma_wait3A_72 = arith.constant 0 : i32
    %dma_wait3A_73 = arith.constant 0 : i32
    %dma_wait3A_74 = tpu.memref_slice %dma_wait3A_71[%dma_wait3A_72, %dma_wait3A_73] : memref<80x128xi32, #tpu.memory_space<hbm>> -> memref<40x128xi32, #tpu.memory_space<hbm>>
    tpu.wait_dma2 semaphore(%arg13 : memref<!tpu.dma_semaphore, #tpu.memory_space<semaphore_mem>>) src(%dma_wait3A_74 : memref<40x128xi32, #tpu.memory_space<hbm>>) dst(%arg8 : memref<40x128xi32, #tpu.memory_space<vmem>>)
    %barrier3A = arith.constant 0 : index
    tpu.barrier barrier_id(%barrier3A)
    %dma_start3A_75 = arith.constant 0 : i32
    %dma_start3A_76 = arith.constant 0 : i32
    %dma_start3A_77 = tpu.memref_slice %arg8[%dma_start3A_75, %dma_start3A_76] : memref<40x128xi32, #tpu.memory_space<vmem>> -> memref<1x128xi32, #tpu.memory_space<vmem>>
    %dma_start3A_78 = tpu.memref_squeeze %dma_start3A_77 : memref<1x128xi32, #tpu.memory_space<vmem>> -> memref<128xi32, #tpu.memory_space<vmem>>
    %dma_start3A_79 = arith.constant 0 : i32
    %dma_start3A_80 = arith.constant 0 : i32
    %dma_start3A_81 = tpu.memref_slice %arg2[%dma_start3A_79, %dma_start3A_80] : memref<10000x128xf32, #tpu.memory_space<hbm>> -> memref<10000x128xf32, #tpu.memory_space<hbm>>
    tpu.enqueue_indirect_dma source(%dma_start3A_81 : memref<10000x128xf32, #tpu.memory_space<hbm>>) target(%arg9 : memref<128x128xf32, #tpu.memory_space<vmem>>) offsets(%dma_start3A_78 : memref<128xi32, #tpu.memory_space<vmem>>) semaphore(%arg12 : memref<!tpu.dma_semaphore, #tpu.memory_space<semaphore_mem>>)
    %scan3A = arith.constant 0 : i32
    %scan3A_82 = arith.constant 20 : i32
    %scan3A_83 = arith.addi %scan3A, %scan3A_82 : i32
    %scan3A_84 = arith.constant 1 : i32
    scf.for %scan3A_103 = %scan3A to %scan3A_83 step %scan3A_84  : i32 {
      %mul3A_104 = arith.constant 1 : i32
      %mul3A_105 = arith.muli %scan3A_103, %mul3A_104 : i32
      %add3A_106 = arith.constant 0 : i32
      %add3A_107 = arith.addi %add3A_106, %mul3A_105 : i32
      %mul3A_108 = arith.constant 2 : i32
      %mul3A_109 = arith.muli %mul3A_108, %add3A_107 : i32
      %dma_wait3A_110 = arith.constant 0 : i32
      %dma_wait3A_111 = tpu.memref_slice %arg8[%mul3A_109, %dma_wait3A_110] : memref<40x128xi32, #tpu.memory_space<vmem>> -> memref<1x128xi32, #tpu.memory_space<vmem>>
      %dma_wait3A_112 = tpu.memref_squeeze %dma_wait3A_111 : memref<1x128xi32, #tpu.memory_space<vmem>> -> memref<128xi32, #tpu.memory_space<vmem>>
      %dma_wait3A_113 = arith.constant 0 : i32
      %dma_wait3A_114 = arith.constant 0 : i32
      %dma_wait3A_115 = tpu.memref_slice %arg2[%dma_wait3A_113, %dma_wait3A_114] : memref<10000x128xf32, #tpu.memory_space<hbm>> -> memref<10000x128xf32, #tpu.memory_space<hbm>>
      tpu.wait_indirect_dma semaphore(%arg12 : memref<!tpu.dma_semaphore, #tpu.memory_space<semaphore_mem>>) src(%dma_wait3A_115 : memref<10000x128xf32, #tpu.memory_space<hbm>>) dst(%arg9 : memref<128x128xf32, #tpu.memory_space<vmem>>)
      %add3A_116 = arith.constant 1 : i32
      %add3A_117 = arith.addi %mul3A_109, %add3A_116 : i32
      %dma_start3A_118 = arith.constant 0 : i32
      %dma_start3A_119 = tpu.memref_slice %arg8[%add3A_117, %dma_start3A_118] : memref<40x128xi32, #tpu.memory_space<vmem>> -> memref<1x128xi32, #tpu.memory_space<vmem>>
      %dma_start3A_120 = tpu.memref_squeeze %dma_start3A_119 : memref<1x128xi32, #tpu.memory_space<vmem>> -> memref<128xi32, #tpu.memory_space<vmem>>
      %dma_start3A_121 = arith.constant 0 : i32
      %dma_start3A_122 = arith.constant 0 : i32
      %dma_start3A_123 = tpu.memref_slice %arg2[%dma_start3A_121, %dma_start3A_122] : memref<10000x128xf32, #tpu.memory_space<hbm>> -> memref<10000x128xf32, #tpu.memory_space<hbm>>
      tpu.enqueue_indirect_dma source(%dma_start3A_123 : memref<10000x128xf32, #tpu.memory_space<hbm>>) target(%arg10 : memref<128x128xf32, #tpu.memory_space<vmem>>) offsets(%dma_start3A_120 : memref<128xi32, #tpu.memory_space<vmem>>) semaphore(%arg13 : memref<!tpu.dma_semaphore, #tpu.memory_space<semaphore_mem>>)
      "tpu.region"() ({
        %run_scoped3A = tpu.sem_alloc : memref<!tpu.dma_semaphore, #tpu.memory_space<semaphore_mem>>
        %dma_start3A_136 = arith.constant 0 : i32
        %dma_start3A_137 = tpu.memref_slice %arg7[%mul3A_109, %dma_start3A_136] : memref<40x128xi32, #tpu.memory_space<vmem>> -> memref<1x128xi32, #tpu.memory_space<vmem>>
        %dma_start3A_138 = tpu.memref_squeeze %dma_start3A_137 : memref<1x128xi32, #tpu.memory_space<vmem>> -> memref<128xi32, #tpu.memory_space<vmem>>
        %dma_start3A_139 = arith.constant 0 : i32
        %dma_start3A_140 = arith.constant 0 : i32
        %dma_start3A_141 = tpu.memref_slice %arg11[%dma_start3A_139, %dma_start3A_140] : memref<10240x128xf32, #tpu.memory_space<vmem_shared>> -> memref<10240x128xf32, #tpu.memory_space<vmem_shared>>
        tpu.enqueue_indirect_dma source(%arg9 : memref<128x128xf32, #tpu.memory_space<vmem>>) target(%dma_start3A_141 : memref<10240x128xf32, #tpu.memory_space<vmem_shared>>) offsets(%dma_start3A_138 : memref<128xi32, #tpu.memory_space<vmem>>) semaphore(%run_scoped3A : memref<!tpu.dma_semaphore, #tpu.memory_space<semaphore_mem>>) {add = true}
        %dma_wait3A_142 = arith.constant 0 : i32
        %dma_wait3A_143 = tpu.memref_slice %arg7[%mul3A_109, %dma_wait3A_142] : memref<40x128xi32, #tpu.memory_space<vmem>> -> memref<1x128xi32, #tpu.memory_space<vmem>>
        %dma_wait3A_144 = tpu.memref_squeeze %dma_wait3A_143 : memref<1x128xi32, #tpu.memory_space<vmem>> -> memref<128xi32, #tpu.memory_space<vmem>>
        %dma_wait3A_145 = arith.constant 0 : i32
        %dma_wait3A_146 = arith.constant 0 : i32
        %dma_wait3A_147 = tpu.memref_slice %arg11[%dma_wait3A_145, %dma_wait3A_146] : memref<10240x128xf32, #tpu.memory_space<vmem_shared>> -> memref<10240x128xf32, #tpu.memory_space<vmem_shared>>
        tpu.wait_indirect_dma semaphore(%run_scoped3A : memref<!tpu.dma_semaphore, #tpu.memory_space<semaphore_mem>>) src(%arg9 : memref<128x128xf32, #tpu.memory_space<vmem>>) dst(%dma_wait3A_147 : memref<10240x128xf32, #tpu.memory_space<vmem_shared>>)
        tpu.yield
      }) : () -> ()
      %add3A_124 = arith.constant 1 : i32
      %add3A_125 = arith.addi %mul3A_109, %add3A_124 : i32
      %dma_wait3A_126 = arith.constant 0 : i32
      %dma_wait3A_127 = tpu.memref_slice %arg8[%add3A_125, %dma_wait3A_126] : memref<40x128xi32, #tpu.memory_space<vmem>> -> memref<1x128xi32, #tpu.memory_space<vmem>>
      %dma_wait3A_128 = tpu.memref_squeeze %dma_wait3A_127 : memref<1x128xi32, #tpu.memory_space<vmem>> -> memref<128xi32, #tpu.memory_space<vmem>>
      %dma_wait3A_129 = arith.constant 0 : i32
      %dma_wait3A_130 = arith.constant 0 : i32
      %dma_wait3A_131 = tpu.memref_slice %arg2[%dma_wait3A_129, %dma_wait3A_130] : memref<10000x128xf32, #tpu.memory_space<hbm>> -> memref<10000x128xf32, #tpu.memory_space<hbm>>
      tpu.wait_indirect_dma semaphore(%arg13 : memref<!tpu.dma_semaphore, #tpu.memory_space<semaphore_mem>>) src(%dma_wait3A_131 : memref<10000x128xf32, #tpu.memory_space<hbm>>) dst(%arg10 : memref<128x128xf32, #tpu.memory_space<vmem>>)
      %lt3A = arith.constant 19 : i32
      %lt3A_132 = arith.cmpi slt, %add3A_107, %lt3A : i32
      %convert_element_type3A = arith.extui %lt3A_132 : i1 to i32
      %cond3A = arith.constant 0 : i32
      %cond3A_133 = arith.cmpi ne, %convert_element_type3A, %cond3A : i32
      scf.if %cond3A_133 {
        %add3A_136 = arith.constant 2 : i32
        %add3A_137 = arith.addi %mul3A_109, %add3A_136 : i32
        %dma_start3A_138 = arith.constant 0 : i32
        %dma_start3A_139 = tpu.memref_slice %arg8[%add3A_137, %dma_start3A_138] : memref<40x128xi32, #tpu.memory_space<vmem>> -> memref<1x128xi32, #tpu.memory_space<vmem>>
        %dma_start3A_140 = tpu.memref_squeeze %dma_start3A_139 : memref<1x128xi32, #tpu.memory_space<vmem>> -> memref<128xi32, #tpu.memory_space<vmem>>
        %dma_start3A_141 = arith.constant 0 : i32
        %dma_start3A_142 = arith.constant 0 : i32
        %dma_start3A_143 = tpu.memref_slice %arg2[%dma_start3A_141, %dma_start3A_142] : memref<10000x128xf32, #tpu.memory_space<hbm>> -> memref<10000x128xf32, #tpu.memory_space<hbm>>
        tpu.enqueue_indirect_dma source(%dma_start3A_143 : memref<10000x128xf32, #tpu.memory_space<hbm>>) target(%arg9 : memref<128x128xf32, #tpu.memory_space<vmem>>) offsets(%dma_start3A_140 : memref<128xi32, #tpu.memory_space<vmem>>) semaphore(%arg12 : memref<!tpu.dma_semaphore, #tpu.memory_space<semaphore_mem>>)
      } else {
      }
      %add3A_134 = arith.constant 1 : i32
      %add3A_135 = arith.addi %mul3A_109, %add3A_134 : i32
      "tpu.region"() ({
        %run_scoped3A = tpu.sem_alloc : memref<!tpu.dma_semaphore, #tpu.memory_space<semaphore_mem>>
        %dma_start3A_136 = arith.constant 0 : i32
        %dma_start3A_137 = tpu.memref_slice %arg7[%add3A_135, %dma_start3A_136] : memref<40x128xi32, #tpu.memory_space<vmem>> -> memref<1x128xi32, #tpu.memory_space<vmem>>
        %dma_start3A_138 = tpu.memref_squeeze %dma_start3A_137 : memref<1x128xi32, #tpu.memory_space<vmem>> -> memref<128xi32, #tpu.memory_space<vmem>>
        %dma_start3A_139 = arith.constant 0 : i32
        %dma_start3A_140 = arith.constant 0 : i32
        %dma_start3A_141 = tpu.memref_slice %arg11[%dma_start3A_139, %dma_start3A_140] : memref<10240x128xf32, #tpu.memory_space<vmem_shared>> -> memref<10240x128xf32, #tpu.memory_space<vmem_shared>>
        tpu.enqueue_indirect_dma source(%arg10 : memref<128x128xf32, #tpu.memory_space<vmem>>) target(%dma_start3A_141 : memref<10240x128xf32, #tpu.memory_space<vmem_shared>>) offsets(%dma_start3A_138 : memref<128xi32, #tpu.memory_space<vmem>>) semaphore(%run_scoped3A : memref<!tpu.dma_semaphore, #tpu.memory_space<semaphore_mem>>) {add = true}
        %dma_wait3A_142 = arith.constant 0 : i32
        %dma_wait3A_143 = tpu.memref_slice %arg7[%add3A_135, %dma_wait3A_142] : memref<40x128xi32, #tpu.memory_space<vmem>> -> memref<1x128xi32, #tpu.memory_space<vmem>>
        %dma_wait3A_144 = tpu.memref_squeeze %dma_wait3A_143 : memref<1x128xi32, #tpu.memory_space<vmem>> -> memref<128xi32, #tpu.memory_space<vmem>>
        %dma_wait3A_145 = arith.constant 0 : i32
        %dma_wait3A_146 = arith.constant 0 : i32
        %dma_wait3A_147 = tpu.memref_slice %arg11[%dma_wait3A_145, %dma_wait3A_146] : memref<10240x128xf32, #tpu.memory_space<vmem_shared>> -> memref<10240x128xf32, #tpu.memory_space<vmem_shared>>
        tpu.wait_indirect_dma semaphore(%run_scoped3A : memref<!tpu.dma_semaphore, #tpu.memory_space<semaphore_mem>>) src(%arg10 : memref<128x128xf32, #tpu.memory_space<vmem>>) dst(%dma_wait3A_147 : memref<10240x128xf32, #tpu.memory_space<vmem_shared>>)
        tpu.yield
      }) : () -> ()
    }
    %scan3A_85 = arith.constant 20 : i32
    "tpu.region"() ({
      %run_scoped3A = tpu.sem_alloc : memref<!tpu.dma_semaphore, #tpu.memory_space<semaphore_mem>>
      %dma_start3A_103 = arith.constant 0 : i32
      %dma_start3A_104 = arith.constant 0 : i32
      %dma_start3A_105 = tpu.memref_slice %arg3[%add3A, %dma_start3A_103, %dma_start3A_104] : memref<32x80x128xi32, #tpu.memory_space<hbm>> -> memref<1x80x128xi32, #tpu.memory_space<hbm>>
      %dma_start3A_106 = tpu.memref_squeeze %dma_start3A_105 : memref<1x80x128xi32, #tpu.memory_space<hbm>> -> memref<80x128xi32, #tpu.memory_space<hbm>>
      %dma_start3A_107 = arith.constant 40 : i32
      %dma_start3A_108 = arith.constant 0 : i32
      %dma_start3A_109 = tpu.memref_slice %dma_start3A_106[%dma_start3A_107, %dma_start3A_108] : memref<80x128xi32, #tpu.memory_space<hbm>> -> memref<40x128xi32, #tpu.memory_space<hbm>>
      %dma_start3A_110 = arith.constant 0 : i32
      %dma_start3A_111 = arith.constant 0 : i32
      %dma_start3A_112 = tpu.memref_slice %arg3[%add3A, %dma_start3A_110, %dma_start3A_111] : memref<32x80x128xi32, #tpu.memory_space<hbm>> -> memref<1x80x128xi32, #tpu.memory_space<hbm>>
      %dma_start3A_113 = tpu.memref_squeeze %dma_start3A_112 : memref<1x80x128xi32, #tpu.memory_space<hbm>> -> memref<80x128xi32, #tpu.memory_space<hbm>>
      %dma_start3A_114 = arith.constant 40 : i32
      %dma_start3A_115 = arith.constant 0 : i32
      %dma_start3A_116 = tpu.memref_slice %dma_start3A_113[%dma_start3A_114, %dma_start3A_115] : memref<80x128xi32, #tpu.memory_space<hbm>> -> memref<40x128xi32, #tpu.memory_space<hbm>>
      tpu.enqueue_dma source(%dma_start3A_116 : memref<40x128xi32, #tpu.memory_space<hbm>>) target(%arg7 : memref<40x128xi32, #tpu.memory_space<vmem>>) target_semaphore(%run_scoped3A : memref<!tpu.dma_semaphore, #tpu.memory_space<semaphore_mem>>)
      %dma_wait3A_117 = arith.constant 0 : i32
      %dma_wait3A_118 = arith.constant 0 : i32
      %dma_wait3A_119 = tpu.memref_slice %arg3[%add3A, %dma_wait3A_117, %dma_wait3A_118] : memref<32x80x128xi32, #tpu.memory_space<hbm>> -> memref<1x80x128xi32, #tpu.memory_space<hbm>>
      %dma_wait3A_120 = tpu.memref_squeeze %dma_wait3A_119 : memref<1x80x128xi32, #tpu.memory_space<hbm>> -> memref<80x128xi32, #tpu.memory_space<hbm>>
      %dma_wait3A_121 = arith.constant 40 : i32
      %dma_wait3A_122 = arith.constant 0 : i32
      %dma_wait3A_123 = tpu.memref_slice %dma_wait3A_120[%dma_wait3A_121, %dma_wait3A_122] : memref<80x128xi32, #tpu.memory_space<hbm>> -> memref<40x128xi32, #tpu.memory_space<hbm>>
      %dma_wait3A_124 = arith.constant 0 : i32
      %dma_wait3A_125 = arith.constant 0 : i32
      %dma_wait3A_126 = tpu.memref_slice %arg3[%add3A, %dma_wait3A_124, %dma_wait3A_125] : memref<32x80x128xi32, #tpu.memory_space<hbm>> -> memref<1x80x128xi32, #tpu.memory_space<hbm>>
      %dma_wait3A_127 = tpu.memref_squeeze %dma_wait3A_126 : memref<1x80x128xi32, #tpu.memory_space<hbm>> -> memref<80x128xi32, #tpu.memory_space<hbm>>
      %dma_wait3A_128 = arith.constant 40 : i32
      %dma_wait3A_129 = arith.constant 0 : i32
      %dma_wait3A_130 = tpu.memref_slice %dma_wait3A_127[%dma_wait3A_128, %dma_wait3A_129] : memref<80x128xi32, #tpu.memory_space<hbm>> -> memref<40x128xi32, #tpu.memory_space<hbm>>
      tpu.wait_dma2 semaphore(%run_scoped3A : memref<!tpu.dma_semaphore, #tpu.memory_space<semaphore_mem>>) src(%dma_wait3A_130 : memref<40x128xi32, #tpu.memory_space<hbm>>) dst(%arg7 : memref<40x128xi32, #tpu.memory_space<vmem>>)
      tpu.yield
    }) : () -> ()
    "tpu.region"() ({
      %run_scoped3A = tpu.sem_alloc : memref<!tpu.dma_semaphore, #tpu.memory_space<semaphore_mem>>
      %dma_start3A_103 = arith.constant 0 : i32
      %dma_start3A_104 = arith.constant 0 : i32
      %dma_start3A_105 = tpu.memref_slice %arg4[%add3A, %dma_start3A_103, %dma_start3A_104] : memref<32x80x128xi32, #tpu.memory_space<hbm>> -> memref<1x80x128xi32, #tpu.memory_space<hbm>>
      %dma_start3A_106 = tpu.memref_squeeze %dma_start3A_105 : memref<1x80x128xi32, #tpu.memory_space<hbm>> -> memref<80x128xi32, #tpu.memory_space<hbm>>
      %dma_start3A_107 = arith.constant 40 : i32
      %dma_start3A_108 = arith.constant 0 : i32
      %dma_start3A_109 = tpu.memref_slice %dma_start3A_106[%dma_start3A_107, %dma_start3A_108] : memref<80x128xi32, #tpu.memory_space<hbm>> -> memref<40x128xi32, #tpu.memory_space<hbm>>
      %dma_start3A_110 = arith.constant 0 : i32
      %dma_start3A_111 = arith.constant 0 : i32
      %dma_start3A_112 = tpu.memref_slice %arg4[%add3A, %dma_start3A_110, %dma_start3A_111] : memref<32x80x128xi32, #tpu.memory_space<hbm>> -> memref<1x80x128xi32, #tpu.memory_space<hbm>>
      %dma_start3A_113 = tpu.memref_squeeze %dma_start3A_112 : memref<1x80x128xi32, #tpu.memory_space<hbm>> -> memref<80x128xi32, #tpu.memory_space<hbm>>
      %dma_start3A_114 = arith.constant 40 : i32
      %dma_start3A_115 = arith.constant 0 : i32
      %dma_start3A_116 = tpu.memref_slice %dma_start3A_113[%dma_start3A_114, %dma_start3A_115] : memref<80x128xi32, #tpu.memory_space<hbm>> -> memref<40x128xi32, #tpu.memory_space<hbm>>
      tpu.enqueue_dma source(%dma_start3A_116 : memref<40x128xi32, #tpu.memory_space<hbm>>) target(%arg8 : memref<40x128xi32, #tpu.memory_space<vmem>>) target_semaphore(%run_scoped3A : memref<!tpu.dma_semaphore, #tpu.memory_space<semaphore_mem>>)
      %dma_wait3A_117 = arith.constant 0 : i32
      %dma_wait3A_118 = arith.constant 0 : i32
      %dma_wait3A_119 = tpu.memref_slice %arg4[%add3A, %dma_wait3A_117, %dma_wait3A_118] : memref<32x80x128xi32, #tpu.memory_space<hbm>> -> memref<1x80x128xi32, #tpu.memory_space<hbm>>
      %dma_wait3A_120 = tpu.memref_squeeze %dma_wait3A_119 : memref<1x80x128xi32, #tpu.memory_space<hbm>> -> memref<80x128xi32, #tpu.memory_space<hbm>>
      %dma_wait3A_121 = arith.constant 40 : i32
      %dma_wait3A_122 = arith.constant 0 : i32
      %dma_wait3A_123 = tpu.memref_slice %dma_wait3A_120[%dma_wait3A_121, %dma_wait3A_122] : memref<80x128xi32, #tpu.memory_space<hbm>> -> memref<40x128xi32, #tpu.memory_space<hbm>>
      %dma_wait3A_124 = arith.constant 0 : i32
      %dma_wait3A_125 = arith.constant 0 : i32
      %dma_wait3A_126 = tpu.memref_slice %arg4[%add3A, %dma_wait3A_124, %dma_wait3A_125] : memref<32x80x128xi32, #tpu.memory_space<hbm>> -> memref<1x80x128xi32, #tpu.memory_space<hbm>>
      %dma_wait3A_127 = tpu.memref_squeeze %dma_wait3A_126 : memref<1x80x128xi32, #tpu.memory_space<hbm>> -> memref<80x128xi32, #tpu.memory_space<hbm>>
      %dma_wait3A_128 = arith.constant 40 : i32
      %dma_wait3A_129 = arith.constant 0 : i32
      %dma_wait3A_130 = tpu.memref_slice %dma_wait3A_127[%dma_wait3A_128, %dma_wait3A_129] : memref<80x128xi32, #tpu.memory_space<hbm>> -> memref<40x128xi32, #tpu.memory_space<hbm>>
      tpu.wait_dma2 semaphore(%run_scoped3A : memref<!tpu.dma_semaphore, #tpu.memory_space<semaphore_mem>>) src(%dma_wait3A_130 : memref<40x128xi32, #tpu.memory_space<hbm>>) dst(%arg8 : memref<40x128xi32, #tpu.memory_space<vmem>>)
      tpu.yield
    }) : () -> ()
    %dma_start3A_86 = arith.constant 0 : i32
    %dma_start3A_87 = arith.constant 0 : i32
    %dma_start3A_88 = tpu.memref_slice %arg8[%dma_start3A_86, %dma_start3A_87] : memref<40x128xi32, #tpu.memory_space<vmem>> -> memref<1x128xi32, #tpu.memory_space<vmem>>
    %dma_start3A_89 = tpu.memref_squeeze %dma_start3A_88 : memref<1x128xi32, #tpu.memory_space<vmem>> -> memref<128xi32, #tpu.memory_space<vmem>>
    %dma_start3A_90 = arith.constant 0 : i32
    %dma_start3A_91 = arith.constant 0 : i32
    %dma_start3A_92 = tpu.memref_slice %arg2[%dma_start3A_90, %dma_start3A_91] : memref<10000x128xf32, #tpu.memory_space<hbm>> -> memref<10000x128xf32, #tpu.memory_space<hbm>>
    tpu.enqueue_indirect_dma source(%dma_start3A_92 : memref<10000x128xf32, #tpu.memory_space<hbm>>) target(%arg9 : memref<128x128xf32, #tpu.memory_space<vmem>>) offsets(%dma_start3A_89 : memref<128xi32, #tpu.memory_space<vmem>>) semaphore(%arg12 : memref<!tpu.dma_semaphore, #tpu.memory_space<semaphore_mem>>)
    %scan3A_93 = arith.constant 0 : i32
    %scan3A_94 = arith.constant 20 : i32
    %scan3A_95 = arith.addi %scan3A_93, %scan3A_94 : i32
    %scan3A_96 = arith.constant 1 : i32
    scf.for %scan3A_103 = %scan3A_93 to %scan3A_95 step %scan3A_96  : i32 {
      %mul3A_104 = arith.constant 1 : i32
      %mul3A_105 = arith.muli %scan3A_103, %mul3A_104 : i32
      %add3A_106 = arith.constant 0 : i32
      %add3A_107 = arith.addi %add3A_106, %mul3A_105 : i32
      %mul3A_108 = arith.constant 2 : i32
      %mul3A_109 = arith.muli %mul3A_108, %add3A_107 : i32
      %dma_wait3A_110 = arith.constant 0 : i32
      %dma_wait3A_111 = tpu.memref_slice %arg8[%mul3A_109, %dma_wait3A_110] : memref<40x128xi32, #tpu.memory_space<vmem>> -> memref<1x128xi32, #tpu.memory_space<vmem>>
      %dma_wait3A_112 = tpu.memref_squeeze %dma_wait3A_111 : memref<1x128xi32, #tpu.memory_space<vmem>> -> memref<128xi32, #tpu.memory_space<vmem>>
      %dma_wait3A_113 = arith.constant 0 : i32
      %dma_wait3A_114 = arith.constant 0 : i32
      %dma_wait3A_115 = tpu.memref_slice %arg2[%dma_wait3A_113, %dma_wait3A_114] : memref<10000x128xf32, #tpu.memory_space<hbm>> -> memref<10000x128xf32, #tpu.memory_space<hbm>>
      tpu.wait_indirect_dma semaphore(%arg12 : memref<!tpu.dma_semaphore, #tpu.memory_space<semaphore_mem>>) src(%dma_wait3A_115 : memref<10000x128xf32, #tpu.memory_space<hbm>>) dst(%arg9 : memref<128x128xf32, #tpu.memory_space<vmem>>)
      %add3A_116 = arith.constant 1 : i32
      %add3A_117 = arith.addi %mul3A_109, %add3A_116 : i32
      %dma_start3A_118 = arith.constant 0 : i32
      %dma_start3A_119 = tpu.memref_slice %arg8[%add3A_117, %dma_start3A_118] : memref<40x128xi32, #tpu.memory_space<vmem>> -> memref<1x128xi32, #tpu.memory_space<vmem>>
      %dma_start3A_120 = tpu.memref_squeeze %dma_start3A_119 : memref<1x128xi32, #tpu.memory_space<vmem>> -> memref<128xi32, #tpu.memory_space<vmem>>
      %dma_start3A_121 = arith.constant 0 : i32
      %dma_start3A_122 = arith.constant 0 : i32
      %dma_start3A_123 = tpu.memref_slice %arg2[%dma_start3A_121, %dma_start3A_122] : memref<10000x128xf32, #tpu.memory_space<hbm>> -> memref<10000x128xf32, #tpu.memory_space<hbm>>
      tpu.enqueue_indirect_dma source(%dma_start3A_123 : memref<10000x128xf32, #tpu.memory_space<hbm>>) target(%arg10 : memref<128x128xf32, #tpu.memory_space<vmem>>) offsets(%dma_start3A_120 : memref<128xi32, #tpu.memory_space<vmem>>) semaphore(%arg13 : memref<!tpu.dma_semaphore, #tpu.memory_space<semaphore_mem>>)
      "tpu.region"() ({
        %run_scoped3A = tpu.sem_alloc : memref<!tpu.dma_semaphore, #tpu.memory_space<semaphore_mem>>
        %dma_start3A_136 = arith.constant 0 : i32
        %dma_start3A_137 = tpu.memref_slice %arg7[%mul3A_109, %dma_start3A_136] : memref<40x128xi32, #tpu.memory_space<vmem>> -> memref<1x128xi32, #tpu.memory_space<vmem>>
        %dma_start3A_138 = tpu.memref_squeeze %dma_start3A_137 : memref<1x128xi32, #tpu.memory_space<vmem>> -> memref<128xi32, #tpu.memory_space<vmem>>
        %dma_start3A_139 = arith.constant 0 : i32
        %dma_start3A_140 = arith.constant 0 : i32
        %dma_start3A_141 = tpu.memref_slice %arg11[%dma_start3A_139, %dma_start3A_140] : memref<10240x128xf32, #tpu.memory_space<vmem_shared>> -> memref<10240x128xf32, #tpu.memory_space<vmem_shared>>
        tpu.enqueue_indirect_dma source(%arg9 : memref<128x128xf32, #tpu.memory_space<vmem>>) target(%dma_start3A_141 : memref<10240x128xf32, #tpu.memory_space<vmem_shared>>) offsets(%dma_start3A_138 : memref<128xi32, #tpu.memory_space<vmem>>) semaphore(%run_scoped3A : memref<!tpu.dma_semaphore, #tpu.memory_space<semaphore_mem>>) {add = true}
        %dma_wait3A_142 = arith.constant 0 : i32
        %dma_wait3A_143 = tpu.memref_slice %arg7[%mul3A_109, %dma_wait3A_142] : memref<40x128xi32, #tpu.memory_space<vmem>> -> memref<1x128xi32, #tpu.memory_space<vmem>>
        %dma_wait3A_144 = tpu.memref_squeeze %dma_wait3A_143 : memref<1x128xi32, #tpu.memory_space<vmem>> -> memref<128xi32, #tpu.memory_space<vmem>>
        %dma_wait3A_145 = arith.constant 0 : i32
        %dma_wait3A_146 = arith.constant 0 : i32
        %dma_wait3A_147 = tpu.memref_slice %arg11[%dma_wait3A_145, %dma_wait3A_146] : memref<10240x128xf32, #tpu.memory_space<vmem_shared>> -> memref<10240x128xf32, #tpu.memory_space<vmem_shared>>
        tpu.wait_indirect_dma semaphore(%run_scoped3A : memref<!tpu.dma_semaphore, #tpu.memory_space<semaphore_mem>>) src(%arg9 : memref<128x128xf32, #tpu.memory_space<vmem>>) dst(%dma_wait3A_147 : memref<10240x128xf32, #tpu.memory_space<vmem_shared>>)
        tpu.yield
      }) : () -> ()
      %add3A_124 = arith.constant 1 : i32
      %add3A_125 = arith.addi %mul3A_109, %add3A_124 : i32
      %dma_wait3A_126 = arith.constant 0 : i32
      %dma_wait3A_127 = tpu.memref_slice %arg8[%add3A_125, %dma_wait3A_126] : memref<40x128xi32, #tpu.memory_space<vmem>> -> memref<1x128xi32, #tpu.memory_space<vmem>>
      %dma_wait3A_128 = tpu.memref_squeeze %dma_wait3A_127 : memref<1x128xi32, #tpu.memory_space<vmem>> -> memref<128xi32, #tpu.memory_space<vmem>>
      %dma_wait3A_129 = arith.constant 0 : i32
      %dma_wait3A_130 = arith.constant 0 : i32
      %dma_wait3A_131 = tpu.memref_slice %arg2[%dma_wait3A_129, %dma_wait3A_130] : memref<10000x128xf32, #tpu.memory_space<hbm>> -> memref<10000x128xf32, #tpu.memory_space<hbm>>
      tpu.wait_indirect_dma semaphore(%arg13 : memref<!tpu.dma_semaphore, #tpu.memory_space<semaphore_mem>>) src(%dma_wait3A_131 : memref<10000x128xf32, #tpu.memory_space<hbm>>) dst(%arg10 : memref<128x128xf32, #tpu.memory_space<vmem>>)
      %lt3A = arith.constant 19 : i32
      %lt3A_132 = arith.cmpi slt, %add3A_107, %lt3A : i32
      %convert_element_type3A = arith.extui %lt3A_132 : i1 to i32
      %cond3A = arith.constant 0 : i32
      %cond3A_133 = arith.cmpi ne, %convert_element_type3A, %cond3A : i32
      scf.if %cond3A_133 {
        %add3A_136 = arith.constant 2 : i32
        %add3A_137 = arith.addi %mul3A_109, %add3A_136 : i32
        %dma_start3A_138 = arith.constant 0 : i32
        %dma_start3A_139 = tpu.memref_slice %arg8[%add3A_137, %dma_start3A_138] : memref<40x128xi32, #tpu.memory_space<vmem>> -> memref<1x128xi32, #tpu.memory_space<vmem>>
        %dma_start3A_140 = tpu.memref_squeeze %dma_start3A_139 : memref<1x128xi32, #tpu.memory_space<vmem>> -> memref<128xi32, #tpu.memory_space<vmem>>
        %dma_start3A_141 = arith.constant 0 : i32
        %dma_start3A_142 = arith.constant 0 : i32
        %dma_start3A_143 = tpu.memref_slice %arg2[%dma_start3A_141, %dma_start3A_142] : memref<10000x128xf32, #tpu.memory_space<hbm>> -> memref<10000x128xf32, #tpu.memory_space<hbm>>
        tpu.enqueue_indirect_dma source(%dma_start3A_143 : memref<10000x128xf32, #tpu.memory_space<hbm>>) target(%arg9 : memref<128x128xf32, #tpu.memory_space<vmem>>) offsets(%dma_start3A_140 : memref<128xi32, #tpu.memory_space<vmem>>) semaphore(%arg12 : memref<!tpu.dma_semaphore, #tpu.memory_space<semaphore_mem>>)
      } else {
      }
      %add3A_134 = arith.constant 1 : i32
      %add3A_135 = arith.addi %mul3A_109, %add3A_134 : i32
      "tpu.region"() ({
        %run_scoped3A = tpu.sem_alloc : memref<!tpu.dma_semaphore, #tpu.memory_space<semaphore_mem>>
        %dma_start3A_136 = arith.constant 0 : i32
        %dma_start3A_137 = tpu.memref_slice %arg7[%add3A_135, %dma_start3A_136] : memref<40x128xi32, #tpu.memory_space<vmem>> -> memref<1x128xi32, #tpu.memory_space<vmem>>
        %dma_start3A_138 = tpu.memref_squeeze %dma_start3A_137 : memref<1x128xi32, #tpu.memory_space<vmem>> -> memref<128xi32, #tpu.memory_space<vmem>>
        %dma_start3A_139 = arith.constant 0 : i32
        %dma_start3A_140 = arith.constant 0 : i32
        %dma_start3A_141 = tpu.memref_slice %arg11[%dma_start3A_139, %dma_start3A_140] : memref<10240x128xf32, #tpu.memory_space<vmem_shared>> -> memref<10240x128xf32, #tpu.memory_space<vmem_shared>>
        tpu.enqueue_indirect_dma source(%arg10 : memref<128x128xf32, #tpu.memory_space<vmem>>) target(%dma_start3A_141 : memref<10240x128xf32, #tpu.memory_space<vmem_shared>>) offsets(%dma_start3A_138 : memref<128xi32, #tpu.memory_space<vmem>>) semaphore(%run_scoped3A : memref<!tpu.dma_semaphore, #tpu.memory_space<semaphore_mem>>) {add = true}
        %dma_wait3A_142 = arith.constant 0 : i32
        %dma_wait3A_143 = tpu.memref_slice %arg7[%add3A_135, %dma_wait3A_142] : memref<40x128xi32, #tpu.memory_space<vmem>> -> memref<1x128xi32, #tpu.memory_space<vmem>>
        %dma_wait3A_144 = tpu.memref_squeeze %dma_wait3A_143 : memref<1x128xi32, #tpu.memory_space<vmem>> -> memref<128xi32, #tpu.memory_space<vmem>>
        %dma_wait3A_145 = arith.constant 0 : i32
        %dma_wait3A_146 = arith.constant 0 : i32
        %dma_wait3A_147 = tpu.memref_slice %arg11[%dma_wait3A_145, %dma_wait3A_146] : memref<10240x128xf32, #tpu.memory_space<vmem_shared>> -> memref<10240x128xf32, #tpu.memory_space<vmem_shared>>
        tpu.wait_indirect_dma semaphore(%run_scoped3A : memref<!tpu.dma_semaphore, #tpu.memory_space<semaphore_mem>>) src(%arg10 : memref<128x128xf32, #tpu.memory_space<vmem>>) dst(%dma_wait3A_147 : memref<10240x128xf32, #tpu.memory_space<vmem_shared>>)
        tpu.yield
      }) : () -> ()
    }
    %scan3A_97 = arith.constant 20 : i32
    %barrier3A_98 = arith.constant 0 : index
    tpu.barrier barrier_id(%barrier3A_98)
    %mul3A_99 = arith.constant 640 : i32
    %mul3A_100 = arith.muli %arg1, %mul3A_99 : i32
    %mul3A_101 = arith.constant 640 : i32
    %mul3A_102 = arith.muli %arg1, %mul3A_101 : i32
    "tpu.region"() ({
      %run_scoped3A = tpu.sem_alloc : memref<!tpu.dma_semaphore, #tpu.memory_space<semaphore_mem>>
      %dma_start3A_103 = arith.constant 0 : i32
      %dma_start3A_104 = arith.constant 0 : i32
      %dma_start3A_105 = tpu.memref_slice %arg6[%arg0, %dma_start3A_103, %dma_start3A_104] : memref<2x10240x128xf32, #tpu.memory_space<hbm>> -> memref<1x10240x128xf32, #tpu.memory_space<hbm>>
      %dma_start3A_106 = tpu.memref_squeeze %dma_start3A_105 : memref<1x10240x128xf32, #tpu.memory_space<hbm>> -> memref<10240x128xf32, #tpu.memory_space<hbm>>
      %dma_start3A_107 = arith.constant 0 : i32
      %dma_start3A_108 = tpu.memref_slice %dma_start3A_106[%mul3A_102, %dma_start3A_107] : memref<10240x128xf32, #tpu.memory_space<hbm>> -> memref<640x128xf32, #tpu.memory_space<hbm>>
      %dma_start3A_109 = arith.constant 0 : i32
      %dma_start3A_110 = tpu.memref_slice %arg11[%mul3A_100, %dma_start3A_109] : memref<10240x128xf32, #tpu.memory_space<vmem_shared>> -> memref<640x128xf32, #tpu.memory_space<vmem_shared>>
      tpu.enqueue_dma source(%dma_start3A_110 : memref<640x128xf32, #tpu.memory_space<vmem_shared>>) target(%dma_start3A_108 : memref<640x128xf32, #tpu.memory_space<hbm>>) target_semaphore(%run_scoped3A : memref<!tpu.dma_semaphore, #tpu.memory_space<semaphore_mem>>)
      %dma_wait3A_111 = arith.constant 0 : i32
      %dma_wait3A_112 = arith.constant 0 : i32
      %dma_wait3A_113 = tpu.memref_slice %arg6[%arg0, %dma_wait3A_111, %dma_wait3A_112] : memref<2x10240x128xf32, #tpu.memory_space<hbm>> -> memref<1x10240x128xf32, #tpu.memory_space<hbm>>
      %dma_wait3A_114 = tpu.memref_squeeze %dma_wait3A_113 : memref<1x10240x128xf32, #tpu.memory_space<hbm>> -> memref<10240x128xf32, #tpu.memory_space<hbm>>
      %dma_wait3A_115 = arith.constant 0 : i32
      %dma_wait3A_116 = tpu.memref_slice %dma_wait3A_114[%mul3A_102, %dma_wait3A_115] : memref<10240x128xf32, #tpu.memory_space<hbm>> -> memref<640x128xf32, #tpu.memory_space<hbm>>
      %dma_wait3A_117 = arith.constant 0 : i32
      %dma_wait3A_118 = tpu.memref_slice %arg11[%mul3A_100, %dma_wait3A_117] : memref<10240x128xf32, #tpu.memory_space<vmem_shared>> -> memref<640x128xf32, #tpu.memory_space<vmem_shared>>
      tpu.wait_dma2 semaphore(%run_scoped3A : memref<!tpu.dma_semaphore, #tpu.memory_space<semaphore_mem>>) src(%dma_wait3A_118 : memref<640x128xf32, #tpu.memory_space<vmem_shared>>) dst(%dma_wait3A_116 : memref<640x128xf32, #tpu.memory_space<hbm>>)
      tpu.yield
    }) : () -> ()
    return
  }
}

#map = affine_map<(d0, d1) -> (0, 0)>
#map1 = affine_map<(d0, d1) -> (0, 0, 0)>
module attributes {stable_mosaic.version = 14 : i64} {
  func.func @spmm(%arg0: i32, %arg1: i32, %arg2: memref<10000x128xf32, #tpu.memory_space<hbm>>, %arg3: memref<32x80x128xi32, #tpu.memory_space<hbm>>, %arg4: memref<32x80x128xi32, #tpu.memory_space<hbm>>, %arg5: memref<128x128xf32, #tpu.memory_space<hbm>>, %arg6: memref<2x10240x128xf32, #tpu.memory_space<hbm>>, %arg7: memref<40x128xi32, #tpu.memory_space<vmem>>, %arg8: memref<40x128xi32, #tpu.memory_space<vmem>>, %arg9: memref<128x128xf32, #tpu.memory_space<vmem>>, %arg10: memref<128x128xf32, #tpu.memory_space<vmem>>, %arg11: memref<10240x128xf32, #tpu.memory_space<vmem_shared>>, %arg12: memref<!tpu.dma_semaphore, #tpu.memory_space<semaphore_mem>>, %arg13: memref<!tpu.dma_semaphore, #tpu.memory_space<semaphore_mem>>) attributes {dimension_semantics = [#tpu.dimension_semantics<core_parallel>, #tpu.dimension_semantics<subcore_parallel>], iteration_bounds = array<i64: 2, 16>, scalar_prefetch = 0 : i64, scratch_operands = 7 : i64, tpu.core_type = #tpu.core_type<sc_vector_subcore>, window_params = [{transform_indices = #map}, {transform_indices = #map1}, {transform_indices = #map1}, {transform_indices = #map}, {transform_indices = #map1}]} {
    %mul3A = arith.constant 2 : i32
    %mul3A_0 = arith.muli %arg1, %mul3A : i32
    %add3A = arith.addi %mul3A_0, %arg0 : i32
    %dma_start3A = arith.constant 0 : i32
    %dma_start3A_1 = arith.constant 0 : i32
    %dma_start3A_2 = tpu.memref_slice %arg3[%add3A, %dma_start3A, %dma_start3A_1] : memref<32x80x128xi32, #tpu.memory_space<hbm>> -> memref<1x80x128xi32, #tpu.memory_space<hbm>>
    %dma_start3A_3 = tpu.memref_squeeze %dma_start3A_2 : memref<1x80x128xi32, #tpu.memory_space<hbm>> -> memref<80x128xi32, #tpu.memory_space<hbm>>
    %dma_start3A_4 = arith.constant 0 : i32
    %dma_start3A_5 = arith.constant 0 : i32
    %dma_start3A_6 = tpu.memref_slice %dma_start3A_3[%dma_start3A_4, %dma_start3A_5] : memref<80x128xi32, #tpu.memory_space<hbm>> -> memref<40x128xi32, #tpu.memory_space<hbm>>
    %dma_start3A_7 = arith.constant 0 : i32
    %dma_start3A_8 = arith.constant 0 : i32
    %dma_start3A_9 = tpu.memref_slice %arg3[%add3A, %dma_start3A_7, %dma_start3A_8] : memref<32x80x128xi32, #tpu.memory_space<hbm>> -> memref<1x80x128xi32, #tpu.memory_space<hbm>>
    %dma_start3A_10 = tpu.memref_squeeze %dma_start3A_9 : memref<1x80x128xi32, #tpu.memory_space<hbm>> -> memref<80x128xi32, #tpu.memory_space<hbm>>
    %dma_start3A_11 = arith.constant 0 : i32
    %dma_start3A_12 = arith.constant 0 : i32
    %dma_start3A_13 = tpu.memref_slice %dma_start3A_10[%dma_start3A_11, %dma_start3A_12] : memref<80x128xi32, #tpu.memory_space<hbm>> -> memref<40x128xi32, #tpu.memory_space<hbm>>
    tpu.enqueue_dma source(%dma_start3A_13 : memref<40x128xi32, #tpu.memory_space<hbm>>) target(%arg7 : memref<40x128xi32, #tpu.memory_space<vmem>>) target_semaphore(%arg12 : memref<!tpu.dma_semaphore, #tpu.memory_space<semaphore_mem>>)
    %dma_start3A_14 = arith.constant 0 : i32
    %dma_start3A_15 = arith.constant 0 : i32
    %dma_start3A_16 = tpu.memref_slice %arg4[%add3A, %dma_start3A_14, %dma_start3A_15] : memref<32x80x128xi32, #tpu.memory_space<hbm>> -> memref<1x80x128xi32, #tpu.memory_space<hbm>>
    %dma_start3A_17 = tpu.memref_squeeze %dma_start3A_16 : memref<1x80x128xi32, #tpu.memory_space<hbm>> -> memref<80x128xi32, #tpu.memory_space<hbm>>
    %dma_start3A_18 = arith.constant 0 : i32
    %dma_start3A_19 = arith.constant 0 : i32
    %dma_start3A_20 = tpu.memref_slice %dma_start3A_17[%dma_start3A_18, %dma_start3A_19] : memref<80x128xi32, #tpu.memory_space<hbm>> -> memref<40x128xi32, #tpu.memory_space<hbm>>
    %dma_start3A_21 = arith.constant 0 : i32
    %dma_start3A_22 = arith.constant 0 : i32
    %dma_start3A_23 = tpu.memref_slice %arg4[%add3A, %dma_start3A_21, %dma_start3A_22] : memref<32x80x128xi32, #tpu.memory_space<hbm>> -> memref<1x80x128xi32, #tpu.memory_space<hbm>>
    %dma_start3A_24 = tpu.memref_squeeze %dma_start3A_23 : memref<1x80x128xi32, #tpu.memory_space<hbm>> -> memref<80x128xi32, #tpu.memory_space<hbm>>
    %dma_start3A_25 = arith.constant 0 : i32
    %dma_start3A_26 = arith.constant 0 : i32
    %dma_start3A_27 = tpu.memref_slice %dma_start3A_24[%dma_start3A_25, %dma_start3A_26] : memref<80x128xi32, #tpu.memory_space<hbm>> -> memref<40x128xi32, #tpu.memory_space<hbm>>
    tpu.enqueue_dma source(%dma_start3A_27 : memref<40x128xi32, #tpu.memory_space<hbm>>) target(%arg8 : memref<40x128xi32, #tpu.memory_space<vmem>>) target_semaphore(%arg13 : memref<!tpu.dma_semaphore, #tpu.memory_space<semaphore_mem>>)
    "tpu.region"() ({
      %run_scoped3A = tpu.sem_alloc : memref<!tpu.dma_semaphore, #tpu.memory_space<semaphore_mem>>
      tpu.enqueue_dma source(%arg5 : memref<128x128xf32, #tpu.memory_space<hbm>>) target(%arg9 : memref<128x128xf32, #tpu.memory_space<vmem>>) target_semaphore(%run_scoped3A : memref<!tpu.dma_semaphore, #tpu.memory_space<semaphore_mem>>)
      tpu.wait_dma2 semaphore(%run_scoped3A : memref<!tpu.dma_semaphore, #tpu.memory_space<semaphore_mem>>) src(%arg5 : memref<128x128xf32, #tpu.memory_space<hbm>>) dst(%arg9 : memref<128x128xf32, #tpu.memory_space<vmem>>)
      tpu.yield
    }) : () -> ()
    %mul3A_28 = arith.constant 640 : i32
    %mul3A_29 = arith.muli %arg1, %mul3A_28 : i32
    %add3A_30 = arith.constant 0 : i32
    %add3A_31 = arith.addi %mul3A_29, %add3A_30 : i32
    "tpu.region"() ({
      %run_scoped3A = tpu.sem_alloc : memref<!tpu.dma_semaphore, #tpu.memory_space<semaphore_mem>>
      %dma_start3A_103 = arith.constant 0 : i32
      %dma_start3A_104 = tpu.memref_slice %arg11[%add3A_31, %dma_start3A_103] : memref<10240x128xf32, #tpu.memory_space<vmem_shared>> -> memref<128x128xf32, #tpu.memory_space<vmem_shared>>
      %dma_start3A_105 = arith.constant 0 : i32
      %dma_start3A_106 = tpu.memref_slice %arg11[%add3A_31, %dma_start3A_105] : memref<10240x128xf32, #tpu.memory_space<vmem_shared>> -> memref<128x128xf32, #tpu.memory_space<vmem_shared>>
      tpu.enqueue_dma source(%arg9 : memref<128x128xf32, #tpu.memory_space<vmem>>) target(%dma_start3A_106 : memref<128x128xf32, #tpu.memory_space<vmem_shared>>) target_semaphore(%run_scoped3A : memref<!tpu.dma_semaphore, #tpu.memory_space<semaphore_mem>>)
      %dma_wait3A_107 = arith.constant 0 : i32
      %dma_wait3A_108 = tpu.memref_slice %arg11[%add3A_31, %dma_wait3A_107] : memref<10240x128xf32, #tpu.memory_space<vmem_shared>> -> memref<128x128xf32, #tpu.memory_space<vmem_shared>>
      %dma_wait3A_109 = arith.constant 0 : i32
      %dma_wait3A_110 = tpu.memref_slice %arg11[%add3A_31, %dma_wait3A_109] : memref<10240x128xf32, #tpu.memory_space<vmem_shared>> -> memref<128x128xf32, #tpu.memory_space<vmem_shared>>
      tpu.wait_dma2 semaphore(%run_scoped3A : memref<!tpu.dma_semaphore, #tpu.memory_space<semaphore_mem>>) src(%arg9 : memref<128x128xf32, #tpu.memory_space<vmem>>) dst(%dma_wait3A_110 : memref<128x128xf32, #tpu.memory_space<vmem_shared>>)
      tpu.yield
    }) : () -> ()
    %mul3A_32 = arith.constant 640 : i32
    %mul3A_33 = arith.muli %arg1, %mul3A_32 : i32
    %add3A_34 = arith.constant 128 : i32
    %add3A_35 = arith.addi %mul3A_33, %add3A_34 : i32
    "tpu.region"() ({
      %run_scoped3A = tpu.sem_alloc : memref<!tpu.dma_semaphore, #tpu.memory_space<semaphore_mem>>
      %dma_start3A_103 = arith.constant 0 : i32
      %dma_start3A_104 = tpu.memref_slice %arg11[%add3A_35, %dma_start3A_103] : memref<10240x128xf32, #tpu.memory_space<vmem_shared>> -> memref<128x128xf32, #tpu.memory_space<vmem_shared>>
      %dma_start3A_105 = arith.constant 0 : i32
      %dma_start3A_106 = tpu.memref_slice %arg11[%add3A_35, %dma_start3A_105] : memref<10240x128xf32, #tpu.memory_space<vmem_shared>> -> memref<128x128xf32, #tpu.memory_space<vmem_shared>>
      tpu.enqueue_dma source(%arg9 : memref<128x128xf32, #tpu.memory_space<vmem>>) target(%dma_start3A_106 : memref<128x128xf32, #tpu.memory_space<vmem_shared>>) target_semaphore(%run_scoped3A : memref<!tpu.dma_semaphore, #tpu.memory_space<semaphore_mem>>)
      %dma_wait3A_107 = arith.constant 0 : i32
      %dma_wait3A_108 = tpu.memref_slice %arg11[%add3A_35, %dma_wait3A_107] : memref<10240x128xf32, #tpu.memory_space<vmem_shared>> -> memref<128x128xf32, #tpu.memory_space<vmem_shared>>
      %dma_wait3A_109 = arith.constant 0 : i32
      %dma_wait3A_110 = tpu.memref_slice %arg11[%add3A_35, %dma_wait3A_109] : memref<10240x128xf32, #tpu.memory_space<vmem_shared>> -> memref<128x128xf32, #tpu.memory_space<vmem_shared>>
      tpu.wait_dma2 semaphore(%run_scoped3A : memref<!tpu.dma_semaphore, #tpu.memory_space<semaphore_mem>>) src(%arg9 : memref<128x128xf32, #tpu.memory_space<vmem>>) dst(%dma_wait3A_110 : memref<128x128xf32, #tpu.memory_space<vmem_shared>>)
      tpu.yield
    }) : () -> ()
    %mul3A_36 = arith.constant 640 : i32
    %mul3A_37 = arith.muli %arg1, %mul3A_36 : i32
    %add3A_38 = arith.constant 256 : i32
    %add3A_39 = arith.addi %mul3A_37, %add3A_38 : i32
    "tpu.region"() ({
      %run_scoped3A = tpu.sem_alloc : memref<!tpu.dma_semaphore, #tpu.memory_space<semaphore_mem>>
      %dma_start3A_103 = arith.constant 0 : i32
      %dma_start3A_104 = tpu.memref_slice %arg11[%add3A_39, %dma_start3A_103] : memref<10240x128xf32, #tpu.memory_space<vmem_shared>> -> memref<128x128xf32, #tpu.memory_space<vmem_shared>>
      %dma_start3A_105 = arith.constant 0 : i32
      %dma_start3A_106 = tpu.memref_slice %arg11[%add3A_39, %dma_start3A_105] : memref<10240x128xf32, #tpu.memory_space<vmem_shared>> -> memref<128x128xf32, #tpu.memory_space<vmem_shared>>
      tpu.enqueue_dma source(%arg9 : memref<128x128xf32, #tpu.memory_space<vmem>>) target(%dma_start3A_106 : memref<128x128xf32, #tpu.memory_space<vmem_shared>>) target_semaphore(%run_scoped3A : memref<!tpu.dma_semaphore, #tpu.memory_space<semaphore_mem>>)
      %dma_wait3A_107 = arith.constant 0 : i32
      %dma_wait3A_108 = tpu.memref_slice %arg11[%add3A_39, %dma_wait3A_107] : memref<10240x128xf32, #tpu.memory_space<vmem_shared>> -> memref<128x128xf32, #tpu.memory_space<vmem_shared>>
      %dma_wait3A_109 = arith.constant 0 : i32
      %dma_wait3A_110 = tpu.memref_slice %arg11[%add3A_39, %dma_wait3A_109] : memref<10240x128xf32, #tpu.memory_space<vmem_shared>> -> memref<128x128xf32, #tpu.memory_space<vmem_shared>>
      tpu.wait_dma2 semaphore(%run_scoped3A : memref<!tpu.dma_semaphore, #tpu.memory_space<semaphore_mem>>) src(%arg9 : memref<128x128xf32, #tpu.memory_space<vmem>>) dst(%dma_wait3A_110 : memref<128x128xf32, #tpu.memory_space<vmem_shared>>)
      tpu.yield
    }) : () -> ()
    %mul3A_40 = arith.constant 640 : i32
    %mul3A_41 = arith.muli %arg1, %mul3A_40 : i32
    %add3A_42 = arith.constant 384 : i32
    %add3A_43 = arith.addi %mul3A_41, %add3A_42 : i32
    "tpu.region"() ({
      %run_scoped3A = tpu.sem_alloc : memref<!tpu.dma_semaphore, #tpu.memory_space<semaphore_mem>>
      %dma_start3A_103 = arith.constant 0 : i32
      %dma_start3A_104 = tpu.memref_slice %arg11[%add3A_43, %dma_start3A_103] : memref<10240x128xf32, #tpu.memory_space<vmem_shared>> -> memref<128x128xf32, #tpu.memory_space<vmem_shared>>
      %dma_start3A_105 = arith.constant 0 : i32
      %dma_start3A_106 = tpu.memref_slice %arg11[%add3A_43, %dma_start3A_105] : memref<10240x128xf32, #tpu.memory_space<vmem_shared>> -> memref<128x128xf32, #tpu.memory_space<vmem_shared>>
      tpu.enqueue_dma source(%arg9 : memref<128x128xf32, #tpu.memory_space<vmem>>) target(%dma_start3A_106 : memref<128x128xf32, #tpu.memory_space<vmem_shared>>) target_semaphore(%run_scoped3A : memref<!tpu.dma_semaphore, #tpu.memory_space<semaphore_mem>>)
      %dma_wait3A_107 = arith.constant 0 : i32
      %dma_wait3A_108 = tpu.memref_slice %arg11[%add3A_43, %dma_wait3A_107] : memref<10240x128xf32, #tpu.memory_space<vmem_shared>> -> memref<128x128xf32, #tpu.memory_space<vmem_shared>>
      %dma_wait3A_109 = arith.constant 0 : i32
      %dma_wait3A_110 = tpu.memref_slice %arg11[%add3A_43, %dma_wait3A_109] : memref<10240x128xf32, #tpu.memory_space<vmem_shared>> -> memref<128x128xf32, #tpu.memory_space<vmem_shared>>
      tpu.wait_dma2 semaphore(%run_scoped3A : memref<!tpu.dma_semaphore, #tpu.memory_space<semaphore_mem>>) src(%arg9 : memref<128x128xf32, #tpu.memory_space<vmem>>) dst(%dma_wait3A_110 : memref<128x128xf32, #tpu.memory_space<vmem_shared>>)
      tpu.yield
    }) : () -> ()
    %mul3A_44 = arith.constant 640 : i32
    %mul3A_45 = arith.muli %arg1, %mul3A_44 : i32
    %add3A_46 = arith.constant 512 : i32
    %add3A_47 = arith.addi %mul3A_45, %add3A_46 : i32
    "tpu.region"() ({
      %run_scoped3A = tpu.sem_alloc : memref<!tpu.dma_semaphore, #tpu.memory_space<semaphore_mem>>
      %dma_start3A_103 = arith.constant 0 : i32
      %dma_start3A_104 = tpu.memref_slice %arg11[%add3A_47, %dma_start3A_103] : memref<10240x128xf32, #tpu.memory_space<vmem_shared>> -> memref<128x128xf32, #tpu.memory_space<vmem_shared>>
      %dma_start3A_105 = arith.constant 0 : i32
      %dma_start3A_106 = tpu.memref_slice %arg11[%add3A_47, %dma_start3A_105] : memref<10240x128xf32, #tpu.memory_space<vmem_shared>> -> memref<128x128xf32, #tpu.memory_space<vmem_shared>>
      tpu.enqueue_dma source(%arg9 : memref<128x128xf32, #tpu.memory_space<vmem>>) target(%dma_start3A_106 : memref<128x128xf32, #tpu.memory_space<vmem_shared>>) target_semaphore(%run_scoped3A : memref<!tpu.dma_semaphore, #tpu.memory_space<semaphore_mem>>)
      %dma_wait3A_107 = arith.constant 0 : i32
      %dma_wait3A_108 = tpu.memref_slice %arg11[%add3A_47, %dma_wait3A_107] : memref<10240x128xf32, #tpu.memory_space<vmem_shared>> -> memref<128x128xf32, #tpu.memory_space<vmem_shared>>
      %dma_wait3A_109 = arith.constant 0 : i32
      %dma_wait3A_110 = tpu.memref_slice %arg11[%add3A_47, %dma_wait3A_109] : memref<10240x128xf32, #tpu.memory_space<vmem_shared>> -> memref<128x128xf32, #tpu.memory_space<vmem_shared>>
      tpu.wait_dma2 semaphore(%run_scoped3A : memref<!tpu.dma_semaphore, #tpu.memory_space<semaphore_mem>>) src(%arg9 : memref<128x128xf32, #tpu.memory_space<vmem>>) dst(%dma_wait3A_110 : memref<128x128xf32, #tpu.memory_space<vmem_shared>>)
      tpu.yield
    }) : () -> ()
    %dma_wait3A = arith.constant 0 : i32
    %dma_wait3A_48 = arith.constant 0 : i32
    %dma_wait3A_49 = tpu.memref_slice %arg3[%add3A, %dma_wait3A, %dma_wait3A_48] : memref<32x80x128xi32, #tpu.memory_space<hbm>> -> memref<1x80x128xi32, #tpu.memory_space<hbm>>
    %dma_wait3A_50 = tpu.memref_squeeze %dma_wait3A_49 : memref<1x80x128xi32, #tpu.memory_space<hbm>> -> memref<80x128xi32, #tpu.memory_space<hbm>>
    %dma_wait3A_51 = arith.constant 0 : i32
    %dma_wait3A_52 = arith.constant 0 : i32
    %dma_wait3A_53 = tpu.memref_slice %dma_wait3A_50[%dma_wait3A_51, %dma_wait3A_52] : memref<80x128xi32, #tpu.memory_space<hbm>> -> memref<40x128xi32, #tpu.memory_space<hbm>>
    %dma_wait3A_54 = arith.constant 0 : i32
    %dma_wait3A_55 = arith.constant 0 : i32
    %dma_wait3A_56 = tpu.memref_slice %arg3[%add3A, %dma_wait3A_54, %dma_wait3A_55] : memref<32x80x128xi32, #tpu.memory_space<hbm>> -> memref<1x80x128xi32, #tpu.memory_space<hbm>>
    %dma_wait3A_57 = tpu.memref_squeeze %dma_wait3A_56 : memref<1x80x128xi32, #tpu.memory_space<hbm>> -> memref<80x128xi32, #tpu.memory_space<hbm>>
    %dma_wait3A_58 = arith.constant 0 : i32
    %dma_wait3A_59 = arith.constant 0 : i32
    %dma_wait3A_60 = tpu.memref_slice %dma_wait3A_57[%dma_wait3A_58, %dma_wait3A_59] : memref<80x128xi32, #tpu.memory_space<hbm>> -> memref<40x128xi32, #tpu.memory_space<hbm>>
    tpu.wait_dma2 semaphore(%arg12 : memref<!tpu.dma_semaphore, #tpu.memory_space<semaphore_mem>>) src(%dma_wait3A_60 : memref<40x128xi32, #tpu.memory_space<hbm>>) dst(%arg7 : memref<40x128xi32, #tpu.memory_space<vmem>>)
    %dma_wait3A_61 = arith.constant 0 : i32
    %dma_wait3A_62 = arith.constant 0 : i32
    %dma_wait3A_63 = tpu.memref_slice %arg4[%add3A, %dma_wait3A_61, %dma_wait3A_62] : memref<32x80x128xi32, #tpu.memory_space<hbm>> -> memref<1x80x128xi32, #tpu.memory_space<hbm>>
    %dma_wait3A_64 = tpu.memref_squeeze %dma_wait3A_63 : memref<1x80x128xi32, #tpu.memory_space<hbm>> -> memref<80x128xi32, #tpu.memory_space<hbm>>
    %dma_wait3A_65 = arith.constant 0 : i32
    %dma_wait3A_66 = arith.constant 0 : i32
    %dma_wait3A_67 = tpu.memref_slice %dma_wait3A_64[%dma_wait3A_65, %dma_wait3A_66] : memref<80x128xi32, #tpu.memory_space<hbm>> -> memref<40x128xi32, #tpu.memory_space<hbm>>
    %dma_wait3A_68 = arith.constant 0 : i32
    %dma_wait3A_69 = arith.constant 0 : i32
    %dma_wait3A_70 = tpu.memref_slice %arg4[%add3A, %dma_wait3A_68, %dma_wait3A_69] : memref<32x80x128xi32, #tpu.memory_space<hbm>> -> memref<1x80x128xi32, #tpu.memory_space<hbm>>
    %dma_wait3A_71 = tpu.memref_squeeze %dma_wait3A_70 : memref<1x80x128xi32, #tpu.memory_space<hbm>> -> memref<80x128xi32, #tpu.memory_space<hbm>>
    %dma_wait3A_72 = arith.constant 0 : i32
    %dma_wait3A_73 = arith.constant 0 : i32
    %dma_wait3A_74 = tpu.memref_slice %dma_wait3A_71[%dma_wait3A_72, %dma_wait3A_73] : memref<80x128xi32, #tpu.memory_space<hbm>> -> memref<40x128xi32, #tpu.memory_space<hbm>>
    tpu.wait_dma2 semaphore(%arg13 : memref<!tpu.dma_semaphore, #tpu.memory_space<semaphore_mem>>) src(%dma_wait3A_74 : memref<40x128xi32, #tpu.memory_space<hbm>>) dst(%arg8 : memref<40x128xi32, #tpu.memory_space<vmem>>)
    %barrier3A = arith.constant 0 : index
    tpu.barrier barrier_id(%barrier3A)
    %dma_start3A_75 = arith.constant 0 : i32
    %dma_start3A_76 = arith.constant 0 : i32
    %dma_start3A_77 = tpu.memref_slice %arg8[%dma_start3A_75, %dma_start3A_76] : memref<40x128xi32, #tpu.memory_space<vmem>> -> memref<1x128xi32, #tpu.memory_space<vmem>>
    %dma_start3A_78 = tpu.memref_squeeze %dma_start3A_77 : memref<1x128xi32, #tpu.memory_space<vmem>> -> memref<128xi32, #tpu.memory_space<vmem>>
    %dma_start3A_79 = arith.constant 0 : i32
    %dma_start3A_80 = arith.constant 0 : i32
    %dma_start3A_81 = tpu.memref_slice %arg2[%dma_start3A_79, %dma_start3A_80] : memref<10000x128xf32, #tpu.memory_space<hbm>> -> memref<10000x128xf32, #tpu.memory_space<hbm>>
    tpu.enqueue_indirect_dma source(%dma_start3A_81 : memref<10000x128xf32, #tpu.memory_space<hbm>>) target(%arg9 : memref<128x128xf32, #tpu.memory_space<vmem>>) offsets(%dma_start3A_78 : memref<128xi32, #tpu.memory_space<vmem>>) semaphore(%arg12 : memref<!tpu.dma_semaphore, #tpu.memory_space<semaphore_mem>>)
    %scan3A = arith.constant 0 : i32
    %scan3A_82 = arith.constant 20 : i32
    %scan3A_83 = arith.addi %scan3A, %scan3A_82 : i32
    %scan3A_84 = arith.constant 1 : i32
    scf.for %scan3A_103 = %scan3A to %scan3A_83 step %scan3A_84  : i32 {
      %mul3A_104 = arith.constant 1 : i32
      %mul3A_105 = arith.muli %scan3A_103, %mul3A_104 : i32
      %add3A_106 = arith.constant 0 : i32
      %add3A_107 = arith.addi %add3A_106, %mul3A_105 : i32
      %mul3A_108 = arith.constant 2 : i32
      %mul3A_109 = arith.muli %mul3A_108, %add3A_107 : i32
      %dma_wait3A_110 = arith.constant 0 : i32
      %dma_wait3A_111 = tpu.memref_slice %arg8[%mul3A_109, %dma_wait3A_110] : memref<40x128xi32, #tpu.memory_space<vmem>> -> memref<1x128xi32, #tpu.memory_space<vmem>>
      %dma_wait3A_112 = tpu.memref_squeeze %dma_wait3A_111 : memref<1x128xi32, #tpu.memory_space<vmem>> -> memref<128xi32, #tpu.memory_space<vmem>>
      %dma_wait3A_113 = arith.constant 0 : i32
      %dma_wait3A_114 = arith.constant 0 : i32
      %dma_wait3A_115 = tpu.memref_slice %arg2[%dma_wait3A_113, %dma_wait3A_114] : memref<10000x128xf32, #tpu.memory_space<hbm>> -> memref<10000x128xf32, #tpu.memory_space<hbm>>
      tpu.wait_indirect_dma semaphore(%arg12 : memref<!tpu.dma_semaphore, #tpu.memory_space<semaphore_mem>>) src(%dma_wait3A_115 : memref<10000x128xf32, #tpu.memory_space<hbm>>) dst(%arg9 : memref<128x128xf32, #tpu.memory_space<vmem>>)
      %add3A_116 = arith.constant 1 : i32
      %add3A_117 = arith.addi %mul3A_109, %add3A_116 : i32
      %dma_start3A_118 = arith.constant 0 : i32
      %dma_start3A_119 = tpu.memref_slice %arg8[%add3A_117, %dma_start3A_118] : memref<40x128xi32, #tpu.memory_space<vmem>> -> memref<1x128xi32, #tpu.memory_space<vmem>>
      %dma_start3A_120 = tpu.memref_squeeze %dma_start3A_119 : memref<1x128xi32, #tpu.memory_space<vmem>> -> memref<128xi32, #tpu.memory_space<vmem>>
      %dma_start3A_121 = arith.constant 0 : i32
      %dma_start3A_122 = arith.constant 0 : i32
      %dma_start3A_123 = tpu.memref_slice %arg2[%dma_start3A_121, %dma_start3A_122] : memref<10000x128xf32, #tpu.memory_space<hbm>> -> memref<10000x128xf32, #tpu.memory_space<hbm>>
      tpu.enqueue_indirect_dma source(%dma_start3A_123 : memref<10000x128xf32, #tpu.memory_space<hbm>>) target(%arg10 : memref<128x128xf32, #tpu.memory_space<vmem>>) offsets(%dma_start3A_120 : memref<128xi32, #tpu.memory_space<vmem>>) semaphore(%arg13 : memref<!tpu.dma_semaphore, #tpu.memory_space<semaphore_mem>>)
      "tpu.region"() ({
        %run_scoped3A = tpu.sem_alloc : memref<!tpu.dma_semaphore, #tpu.memory_space<semaphore_mem>>
        %dma_start3A_136 = arith.constant 0 : i32
        %dma_start3A_137 = tpu.memref_slice %arg7[%mul3A_109, %dma_start3A_136] : memref<40x128xi32, #tpu.memory_space<vmem>> -> memref<1x128xi32, #tpu.memory_space<vmem>>
        %dma_start3A_138 = tpu.memref_squeeze %dma_start3A_137 : memref<1x128xi32, #tpu.memory_space<vmem>> -> memref<128xi32, #tpu.memory_space<vmem>>
        %dma_start3A_139 = arith.constant 0 : i32
        %dma_start3A_140 = arith.constant 0 : i32
        %dma_start3A_141 = tpu.memref_slice %arg11[%dma_start3A_139, %dma_start3A_140] : memref<10240x128xf32, #tpu.memory_space<vmem_shared>> -> memref<10240x128xf32, #tpu.memory_space<vmem_shared>>
        tpu.enqueue_indirect_dma source(%arg9 : memref<128x128xf32, #tpu.memory_space<vmem>>) target(%dma_start3A_141 : memref<10240x128xf32, #tpu.memory_space<vmem_shared>>) offsets(%dma_start3A_138 : memref<128xi32, #tpu.memory_space<vmem>>) semaphore(%run_scoped3A : memref<!tpu.dma_semaphore, #tpu.memory_space<semaphore_mem>>) {add = true}
        %dma_wait3A_142 = arith.constant 0 : i32
        %dma_wait3A_143 = tpu.memref_slice %arg7[%mul3A_109, %dma_wait3A_142] : memref<40x128xi32, #tpu.memory_space<vmem>> -> memref<1x128xi32, #tpu.memory_space<vmem>>
        %dma_wait3A_144 = tpu.memref_squeeze %dma_wait3A_143 : memref<1x128xi32, #tpu.memory_space<vmem>> -> memref<128xi32, #tpu.memory_space<vmem>>
        %dma_wait3A_145 = arith.constant 0 : i32
        %dma_wait3A_146 = arith.constant 0 : i32
        %dma_wait3A_147 = tpu.memref_slice %arg11[%dma_wait3A_145, %dma_wait3A_146] : memref<10240x128xf32, #tpu.memory_space<vmem_shared>> -> memref<10240x128xf32, #tpu.memory_space<vmem_shared>>
        tpu.wait_indirect_dma semaphore(%run_scoped3A : memref<!tpu.dma_semaphore, #tpu.memory_space<semaphore_mem>>) src(%arg9 : memref<128x128xf32, #tpu.memory_space<vmem>>) dst(%dma_wait3A_147 : memref<10240x128xf32, #tpu.memory_space<vmem_shared>>)
        tpu.yield
      }) : () -> ()
      %add3A_124 = arith.constant 1 : i32
      %add3A_125 = arith.addi %mul3A_109, %add3A_124 : i32
      %dma_wait3A_126 = arith.constant 0 : i32
      %dma_wait3A_127 = tpu.memref_slice %arg8[%add3A_125, %dma_wait3A_126] : memref<40x128xi32, #tpu.memory_space<vmem>> -> memref<1x128xi32, #tpu.memory_space<vmem>>
      %dma_wait3A_128 = tpu.memref_squeeze %dma_wait3A_127 : memref<1x128xi32, #tpu.memory_space<vmem>> -> memref<128xi32, #tpu.memory_space<vmem>>
      %dma_wait3A_129 = arith.constant 0 : i32
      %dma_wait3A_130 = arith.constant 0 : i32
      %dma_wait3A_131 = tpu.memref_slice %arg2[%dma_wait3A_129, %dma_wait3A_130] : memref<10000x128xf32, #tpu.memory_space<hbm>> -> memref<10000x128xf32, #tpu.memory_space<hbm>>
      tpu.wait_indirect_dma semaphore(%arg13 : memref<!tpu.dma_semaphore, #tpu.memory_space<semaphore_mem>>) src(%dma_wait3A_131 : memref<10000x128xf32, #tpu.memory_space<hbm>>) dst(%arg10 : memref<128x128xf32, #tpu.memory_space<vmem>>)
      %lt3A = arith.constant 19 : i32
      %lt3A_132 = arith.cmpi slt, %add3A_107, %lt3A : i32
      %convert_element_type3A = arith.extui %lt3A_132 : i1 to i32
      %cond3A = arith.constant 0 : i32
      %cond3A_133 = arith.cmpi ne, %convert_element_type3A, %cond3A : i32
      scf.if %cond3A_133 {
        %add3A_136 = arith.constant 2 : i32
        %add3A_137 = arith.addi %mul3A_109, %add3A_136 : i32
        %dma_start3A_138 = arith.constant 0 : i32
        %dma_start3A_139 = tpu.memref_slice %arg8[%add3A_137, %dma_start3A_138] : memref<40x128xi32, #tpu.memory_space<vmem>> -> memref<1x128xi32, #tpu.memory_space<vmem>>
        %dma_start3A_140 = tpu.memref_squeeze %dma_start3A_139 : memref<1x128xi32, #tpu.memory_space<vmem>> -> memref<128xi32, #tpu.memory_space<vmem>>
        %dma_start3A_141 = arith.constant 0 : i32
        %dma_start3A_142 = arith.constant 0 : i32
        %dma_start3A_143 = tpu.memref_slice %arg2[%dma_start3A_141, %dma_start3A_142] : memref<10000x128xf32, #tpu.memory_space<hbm>> -> memref<10000x128xf32, #tpu.memory_space<hbm>>
        tpu.enqueue_indirect_dma source(%dma_start3A_143 : memref<10000x128xf32, #tpu.memory_space<hbm>>) target(%arg9 : memref<128x128xf32, #tpu.memory_space<vmem>>) offsets(%dma_start3A_140 : memref<128xi32, #tpu.memory_space<vmem>>) semaphore(%arg12 : memref<!tpu.dma_semaphore, #tpu.memory_space<semaphore_mem>>)
      } else {
      }
      %add3A_134 = arith.constant 1 : i32
      %add3A_135 = arith.addi %mul3A_109, %add3A_134 : i32
      "tpu.region"() ({
        %run_scoped3A = tpu.sem_alloc : memref<!tpu.dma_semaphore, #tpu.memory_space<semaphore_mem>>
        %dma_start3A_136 = arith.constant 0 : i32
        %dma_start3A_137 = tpu.memref_slice %arg7[%add3A_135, %dma_start3A_136] : memref<40x128xi32, #tpu.memory_space<vmem>> -> memref<1x128xi32, #tpu.memory_space<vmem>>
        %dma_start3A_138 = tpu.memref_squeeze %dma_start3A_137 : memref<1x128xi32, #tpu.memory_space<vmem>> -> memref<128xi32, #tpu.memory_space<vmem>>
        %dma_start3A_139 = arith.constant 0 : i32
        %dma_start3A_140 = arith.constant 0 : i32
        %dma_start3A_141 = tpu.memref_slice %arg11[%dma_start3A_139, %dma_start3A_140] : memref<10240x128xf32, #tpu.memory_space<vmem_shared>> -> memref<10240x128xf32, #tpu.memory_space<vmem_shared>>
        tpu.enqueue_indirect_dma source(%arg10 : memref<128x128xf32, #tpu.memory_space<vmem>>) target(%dma_start3A_141 : memref<10240x128xf32, #tpu.memory_space<vmem_shared>>) offsets(%dma_start3A_138 : memref<128xi32, #tpu.memory_space<vmem>>) semaphore(%run_scoped3A : memref<!tpu.dma_semaphore, #tpu.memory_space<semaphore_mem>>) {add = true}
        %dma_wait3A_142 = arith.constant 0 : i32
        %dma_wait3A_143 = tpu.memref_slice %arg7[%add3A_135, %dma_wait3A_142] : memref<40x128xi32, #tpu.memory_space<vmem>> -> memref<1x128xi32, #tpu.memory_space<vmem>>
        %dma_wait3A_144 = tpu.memref_squeeze %dma_wait3A_143 : memref<1x128xi32, #tpu.memory_space<vmem>> -> memref<128xi32, #tpu.memory_space<vmem>>
        %dma_wait3A_145 = arith.constant 0 : i32
        %dma_wait3A_146 = arith.constant 0 : i32
        %dma_wait3A_147 = tpu.memref_slice %arg11[%dma_wait3A_145, %dma_wait3A_146] : memref<10240x128xf32, #tpu.memory_space<vmem_shared>> -> memref<10240x128xf32, #tpu.memory_space<vmem_shared>>
        tpu.wait_indirect_dma semaphore(%run_scoped3A : memref<!tpu.dma_semaphore, #tpu.memory_space<semaphore_mem>>) src(%arg10 : memref<128x128xf32, #tpu.memory_space<vmem>>) dst(%dma_wait3A_147 : memref<10240x128xf32, #tpu.memory_space<vmem_shared>>)
        tpu.yield
      }) : () -> ()
    }
    %scan3A_85 = arith.constant 20 : i32
    "tpu.region"() ({
      %run_scoped3A = tpu.sem_alloc : memref<!tpu.dma_semaphore, #tpu.memory_space<semaphore_mem>>
      %dma_start3A_103 = arith.constant 0 : i32
      %dma_start3A_104 = arith.constant 0 : i32
      %dma_start3A_105 = tpu.memref_slice %arg3[%add3A, %dma_start3A_103, %dma_start3A_104] : memref<32x80x128xi32, #tpu.memory_space<hbm>> -> memref<1x80x128xi32, #tpu.memory_space<hbm>>
      %dma_start3A_106 = tpu.memref_squeeze %dma_start3A_105 : memref<1x80x128xi32, #tpu.memory_space<hbm>> -> memref<80x128xi32, #tpu.memory_space<hbm>>
      %dma_start3A_107 = arith.constant 40 : i32
      %dma_start3A_108 = arith.constant 0 : i32
      %dma_start3A_109 = tpu.memref_slice %dma_start3A_106[%dma_start3A_107, %dma_start3A_108] : memref<80x128xi32, #tpu.memory_space<hbm>> -> memref<40x128xi32, #tpu.memory_space<hbm>>
      %dma_start3A_110 = arith.constant 0 : i32
      %dma_start3A_111 = arith.constant 0 : i32
      %dma_start3A_112 = tpu.memref_slice %arg3[%add3A, %dma_start3A_110, %dma_start3A_111] : memref<32x80x128xi32, #tpu.memory_space<hbm>> -> memref<1x80x128xi32, #tpu.memory_space<hbm>>
      %dma_start3A_113 = tpu.memref_squeeze %dma_start3A_112 : memref<1x80x128xi32, #tpu.memory_space<hbm>> -> memref<80x128xi32, #tpu.memory_space<hbm>>
      %dma_start3A_114 = arith.constant 40 : i32
      %dma_start3A_115 = arith.constant 0 : i32
      %dma_start3A_116 = tpu.memref_slice %dma_start3A_113[%dma_start3A_114, %dma_start3A_115] : memref<80x128xi32, #tpu.memory_space<hbm>> -> memref<40x128xi32, #tpu.memory_space<hbm>>
      tpu.enqueue_dma source(%dma_start3A_116 : memref<40x128xi32, #tpu.memory_space<hbm>>) target(%arg7 : memref<40x128xi32, #tpu.memory_space<vmem>>) target_semaphore(%run_scoped3A : memref<!tpu.dma_semaphore, #tpu.memory_space<semaphore_mem>>)
      %dma_wait3A_117 = arith.constant 0 : i32
      %dma_wait3A_118 = arith.constant 0 : i32
      %dma_wait3A_119 = tpu.memref_slice %arg3[%add3A, %dma_wait3A_117, %dma_wait3A_118] : memref<32x80x128xi32, #tpu.memory_space<hbm>> -> memref<1x80x128xi32, #tpu.memory_space<hbm>>
      %dma_wait3A_120 = tpu.memref_squeeze %dma_wait3A_119 : memref<1x80x128xi32, #tpu.memory_space<hbm>> -> memref<80x128xi32, #tpu.memory_space<hbm>>
      %dma_wait3A_121 = arith.constant 40 : i32
      %dma_wait3A_122 = arith.constant 0 : i32
      %dma_wait3A_123 = tpu.memref_slice %dma_wait3A_120[%dma_wait3A_121, %dma_wait3A_122] : memref<80x128xi32, #tpu.memory_space<hbm>> -> memref<40x128xi32, #tpu.memory_space<hbm>>
      %dma_wait3A_124 = arith.constant 0 : i32
      %dma_wait3A_125 = arith.constant 0 : i32
      %dma_wait3A_126 = tpu.memref_slice %arg3[%add3A, %dma_wait3A_124, %dma_wait3A_125] : memref<32x80x128xi32, #tpu.memory_space<hbm>> -> memref<1x80x128xi32, #tpu.memory_space<hbm>>
      %dma_wait3A_127 = tpu.memref_squeeze %dma_wait3A_126 : memref<1x80x128xi32, #tpu.memory_space<hbm>> -> memref<80x128xi32, #tpu.memory_space<hbm>>
      %dma_wait3A_128 = arith.constant 40 : i32
      %dma_wait3A_129 = arith.constant 0 : i32
      %dma_wait3A_130 = tpu.memref_slice %dma_wait3A_127[%dma_wait3A_128, %dma_wait3A_129] : memref<80x128xi32, #tpu.memory_space<hbm>> -> memref<40x128xi32, #tpu.memory_space<hbm>>
      tpu.wait_dma2 semaphore(%run_scoped3A : memref<!tpu.dma_semaphore, #tpu.memory_space<semaphore_mem>>) src(%dma_wait3A_130 : memref<40x128xi32, #tpu.memory_space<hbm>>) dst(%arg7 : memref<40x128xi32, #tpu.memory_space<vmem>>)
      tpu.yield
    }) : () -> ()
    "tpu.region"() ({
      %run_scoped3A = tpu.sem_alloc : memref<!tpu.dma_semaphore, #tpu.memory_space<semaphore_mem>>
      %dma_start3A_103 = arith.constant 0 : i32
      %dma_start3A_104 = arith.constant 0 : i32
      %dma_start3A_105 = tpu.memref_slice %arg4[%add3A, %dma_start3A_103, %dma_start3A_104] : memref<32x80x128xi32, #tpu.memory_space<hbm>> -> memref<1x80x128xi32, #tpu.memory_space<hbm>>
      %dma_start3A_106 = tpu.memref_squeeze %dma_start3A_105 : memref<1x80x128xi32, #tpu.memory_space<hbm>> -> memref<80x128xi32, #tpu.memory_space<hbm>>
      %dma_start3A_107 = arith.constant 40 : i32
      %dma_start3A_108 = arith.constant 0 : i32
      %dma_start3A_109 = tpu.memref_slice %dma_start3A_106[%dma_start3A_107, %dma_start3A_108] : memref<80x128xi32, #tpu.memory_space<hbm>> -> memref<40x128xi32, #tpu.memory_space<hbm>>
      %dma_start3A_110 = arith.constant 0 : i32
      %dma_start3A_111 = arith.constant 0 : i32
      %dma_start3A_112 = tpu.memref_slice %arg4[%add3A, %dma_start3A_110, %dma_start3A_111] : memref<32x80x128xi32, #tpu.memory_space<hbm>> -> memref<1x80x128xi32, #tpu.memory_space<hbm>>
      %dma_start3A_113 = tpu.memref_squeeze %dma_start3A_112 : memref<1x80x128xi32, #tpu.memory_space<hbm>> -> memref<80x128xi32, #tpu.memory_space<hbm>>
      %dma_start3A_114 = arith.constant 40 : i32
      %dma_start3A_115 = arith.constant 0 : i32
      %dma_start3A_116 = tpu.memref_slice %dma_start3A_113[%dma_start3A_114, %dma_start3A_115] : memref<80x128xi32, #tpu.memory_space<hbm>> -> memref<40x128xi32, #tpu.memory_space<hbm>>
      tpu.enqueue_dma source(%dma_start3A_116 : memref<40x128xi32, #tpu.memory_space<hbm>>) target(%arg8 : memref<40x128xi32, #tpu.memory_space<vmem>>) target_semaphore(%run_scoped3A : memref<!tpu.dma_semaphore, #tpu.memory_space<semaphore_mem>>)
      %dma_wait3A_117 = arith.constant 0 : i32
      %dma_wait3A_118 = arith.constant 0 : i32
      %dma_wait3A_119 = tpu.memref_slice %arg4[%add3A, %dma_wait3A_117, %dma_wait3A_118] : memref<32x80x128xi32, #tpu.memory_space<hbm>> -> memref<1x80x128xi32, #tpu.memory_space<hbm>>
      %dma_wait3A_120 = tpu.memref_squeeze %dma_wait3A_119 : memref<1x80x128xi32, #tpu.memory_space<hbm>> -> memref<80x128xi32, #tpu.memory_space<hbm>>
      %dma_wait3A_121 = arith.constant 40 : i32
      %dma_wait3A_122 = arith.constant 0 : i32
      %dma_wait3A_123 = tpu.memref_slice %dma_wait3A_120[%dma_wait3A_121, %dma_wait3A_122] : memref<80x128xi32, #tpu.memory_space<hbm>> -> memref<40x128xi32, #tpu.memory_space<hbm>>
      %dma_wait3A_124 = arith.constant 0 : i32
      %dma_wait3A_125 = arith.constant 0 : i32
      %dma_wait3A_126 = tpu.memref_slice %arg4[%add3A, %dma_wait3A_124, %dma_wait3A_125] : memref<32x80x128xi32, #tpu.memory_space<hbm>> -> memref<1x80x128xi32, #tpu.memory_space<hbm>>
      %dma_wait3A_127 = tpu.memref_squeeze %dma_wait3A_126 : memref<1x80x128xi32, #tpu.memory_space<hbm>> -> memref<80x128xi32, #tpu.memory_space<hbm>>
      %dma_wait3A_128 = arith.constant 40 : i32
      %dma_wait3A_129 = arith.constant 0 : i32
      %dma_wait3A_130 = tpu.memref_slice %dma_wait3A_127[%dma_wait3A_128, %dma_wait3A_129] : memref<80x128xi32, #tpu.memory_space<hbm>> -> memref<40x128xi32, #tpu.memory_space<hbm>>
      tpu.wait_dma2 semaphore(%run_scoped3A : memref<!tpu.dma_semaphore, #tpu.memory_space<semaphore_mem>>) src(%dma_wait3A_130 : memref<40x128xi32, #tpu.memory_space<hbm>>) dst(%arg8 : memref<40x128xi32, #tpu.memory_space<vmem>>)
      tpu.yield
    }) : () -> ()
    %dma_start3A_86 = arith.constant 0 : i32
    %dma_start3A_87 = arith.constant 0 : i32
    %dma_start3A_88 = tpu.memref_slice %arg8[%dma_start3A_86, %dma_start3A_87] : memref<40x128xi32, #tpu.memory_space<vmem>> -> memref<1x128xi32, #tpu.memory_space<vmem>>
    %dma_start3A_89 = tpu.memref_squeeze %dma_start3A_88 : memref<1x128xi32, #tpu.memory_space<vmem>> -> memref<128xi32, #tpu.memory_space<vmem>>
    %dma_start3A_90 = arith.constant 0 : i32
    %dma_start3A_91 = arith.constant 0 : i32
    %dma_start3A_92 = tpu.memref_slice %arg2[%dma_start3A_90, %dma_start3A_91] : memref<10000x128xf32, #tpu.memory_space<hbm>> -> memref<10000x128xf32, #tpu.memory_space<hbm>>
    tpu.enqueue_indirect_dma source(%dma_start3A_92 : memref<10000x128xf32, #tpu.memory_space<hbm>>) target(%arg9 : memref<128x128xf32, #tpu.memory_space<vmem>>) offsets(%dma_start3A_89 : memref<128xi32, #tpu.memory_space<vmem>>) semaphore(%arg12 : memref<!tpu.dma_semaphore, #tpu.memory_space<semaphore_mem>>)
    %scan3A_93 = arith.constant 0 : i32
    %scan3A_94 = arith.constant 20 : i32
    %scan3A_95 = arith.addi %scan3A_93, %scan3A_94 : i32
    %scan3A_96 = arith.constant 1 : i32
    scf.for %scan3A_103 = %scan3A_93 to %scan3A_95 step %scan3A_96  : i32 {
      %mul3A_104 = arith.constant 1 : i32
      %mul3A_105 = arith.muli %scan3A_103, %mul3A_104 : i32
      %add3A_106 = arith.constant 0 : i32
      %add3A_107 = arith.addi %add3A_106, %mul3A_105 : i32
      %mul3A_108 = arith.constant 2 : i32
      %mul3A_109 = arith.muli %mul3A_108, %add3A_107 : i32
      %dma_wait3A_110 = arith.constant 0 : i32
      %dma_wait3A_111 = tpu.memref_slice %arg8[%mul3A_109, %dma_wait3A_110] : memref<40x128xi32, #tpu.memory_space<vmem>> -> memref<1x128xi32, #tpu.memory_space<vmem>>
      %dma_wait3A_112 = tpu.memref_squeeze %dma_wait3A_111 : memref<1x128xi32, #tpu.memory_space<vmem>> -> memref<128xi32, #tpu.memory_space<vmem>>
      %dma_wait3A_113 = arith.constant 0 : i32
      %dma_wait3A_114 = arith.constant 0 : i32
      %dma_wait3A_115 = tpu.memref_slice %arg2[%dma_wait3A_113, %dma_wait3A_114] : memref<10000x128xf32, #tpu.memory_space<hbm>> -> memref<10000x128xf32, #tpu.memory_space<hbm>>
      tpu.wait_indirect_dma semaphore(%arg12 : memref<!tpu.dma_semaphore, #tpu.memory_space<semaphore_mem>>) src(%dma_wait3A_115 : memref<10000x128xf32, #tpu.memory_space<hbm>>) dst(%arg9 : memref<128x128xf32, #tpu.memory_space<vmem>>)
      %add3A_116 = arith.constant 1 : i32
      %add3A_117 = arith.addi %mul3A_109, %add3A_116 : i32
      %dma_start3A_118 = arith.constant 0 : i32
      %dma_start3A_119 = tpu.memref_slice %arg8[%add3A_117, %dma_start3A_118] : memref<40x128xi32, #tpu.memory_space<vmem>> -> memref<1x128xi32, #tpu.memory_space<vmem>>
      %dma_start3A_120 = tpu.memref_squeeze %dma_start3A_119 : memref<1x128xi32, #tpu.memory_space<vmem>> -> memref<128xi32, #tpu.memory_space<vmem>>
      %dma_start3A_121 = arith.constant 0 : i32
      %dma_start3A_122 = arith.constant 0 : i32
      %dma_start3A_123 = tpu.memref_slice %arg2[%dma_start3A_121, %dma_start3A_122] : memref<10000x128xf32, #tpu.memory_space<hbm>> -> memref<10000x128xf32, #tpu.memory_space<hbm>>
      tpu.enqueue_indirect_dma source(%dma_start3A_123 : memref<10000x128xf32, #tpu.memory_space<hbm>>) target(%arg10 : memref<128x128xf32, #tpu.memory_space<vmem>>) offsets(%dma_start3A_120 : memref<128xi32, #tpu.memory_space<vmem>>) semaphore(%arg13 : memref<!tpu.dma_semaphore, #tpu.memory_space<semaphore_mem>>)
      "tpu.region"() ({
        %run_scoped3A = tpu.sem_alloc : memref<!tpu.dma_semaphore, #tpu.memory_space<semaphore_mem>>
        %dma_start3A_136 = arith.constant 0 : i32
        %dma_start3A_137 = tpu.memref_slice %arg7[%mul3A_109, %dma_start3A_136] : memref<40x128xi32, #tpu.memory_space<vmem>> -> memref<1x128xi32, #tpu.memory_space<vmem>>
        %dma_start3A_138 = tpu.memref_squeeze %dma_start3A_137 : memref<1x128xi32, #tpu.memory_space<vmem>> -> memref<128xi32, #tpu.memory_space<vmem>>
        %dma_start3A_139 = arith.constant 0 : i32
        %dma_start3A_140 = arith.constant 0 : i32
        %dma_start3A_141 = tpu.memref_slice %arg11[%dma_start3A_139, %dma_start3A_140] : memref<10240x128xf32, #tpu.memory_space<vmem_shared>> -> memref<10240x128xf32, #tpu.memory_space<vmem_shared>>
        tpu.enqueue_indirect_dma source(%arg9 : memref<128x128xf32, #tpu.memory_space<vmem>>) target(%dma_start3A_141 : memref<10240x128xf32, #tpu.memory_space<vmem_shared>>) offsets(%dma_start3A_138 : memref<128xi32, #tpu.memory_space<vmem>>) semaphore(%run_scoped3A : memref<!tpu.dma_semaphore, #tpu.memory_space<semaphore_mem>>) {add = true}
        %dma_wait3A_142 = arith.constant 0 : i32
        %dma_wait3A_143 = tpu.memref_slice %arg7[%mul3A_109, %dma_wait3A_142] : memref<40x128xi32, #tpu.memory_space<vmem>> -> memref<1x128xi32, #tpu.memory_space<vmem>>
        %dma_wait3A_144 = tpu.memref_squeeze %dma_wait3A_143 : memref<1x128xi32, #tpu.memory_space<vmem>> -> memref<128xi32, #tpu.memory_space<vmem>>
        %dma_wait3A_145 = arith.constant 0 : i32
        %dma_wait3A_146 = arith.constant 0 : i32
        %dma_wait3A_147 = tpu.memref_slice %arg11[%dma_wait3A_145, %dma_wait3A_146] : memref<10240x128xf32, #tpu.memory_space<vmem_shared>> -> memref<10240x128xf32, #tpu.memory_space<vmem_shared>>
        tpu.wait_indirect_dma semaphore(%run_scoped3A : memref<!tpu.dma_semaphore, #tpu.memory_space<semaphore_mem>>) src(%arg9 : memref<128x128xf32, #tpu.memory_space<vmem>>) dst(%dma_wait3A_147 : memref<10240x128xf32, #tpu.memory_space<vmem_shared>>)
        tpu.yield
      }) : () -> ()
      %add3A_124 = arith.constant 1 : i32
      %add3A_125 = arith.addi %mul3A_109, %add3A_124 : i32
      %dma_wait3A_126 = arith.constant 0 : i32
      %dma_wait3A_127 = tpu.memref_slice %arg8[%add3A_125, %dma_wait3A_126] : memref<40x128xi32, #tpu.memory_space<vmem>> -> memref<1x128xi32, #tpu.memory_space<vmem>>
      %dma_wait3A_128 = tpu.memref_squeeze %dma_wait3A_127 : memref<1x128xi32, #tpu.memory_space<vmem>> -> memref<128xi32, #tpu.memory_space<vmem>>
      %dma_wait3A_129 = arith.constant 0 : i32
      %dma_wait3A_130 = arith.constant 0 : i32
      %dma_wait3A_131 = tpu.memref_slice %arg2[%dma_wait3A_129, %dma_wait3A_130] : memref<10000x128xf32, #tpu.memory_space<hbm>> -> memref<10000x128xf32, #tpu.memory_space<hbm>>
      tpu.wait_indirect_dma semaphore(%arg13 : memref<!tpu.dma_semaphore, #tpu.memory_space<semaphore_mem>>) src(%dma_wait3A_131 : memref<10000x128xf32, #tpu.memory_space<hbm>>) dst(%arg10 : memref<128x128xf32, #tpu.memory_space<vmem>>)
      %lt3A = arith.constant 19 : i32
      %lt3A_132 = arith.cmpi slt, %add3A_107, %lt3A : i32
      %convert_element_type3A = arith.extui %lt3A_132 : i1 to i32
      %cond3A = arith.constant 0 : i32
      %cond3A_133 = arith.cmpi ne, %convert_element_type3A, %cond3A : i32
      scf.if %cond3A_133 {
        %add3A_136 = arith.constant 2 : i32
        %add3A_137 = arith.addi %mul3A_109, %add3A_136 : i32
        %dma_start3A_138 = arith.constant 0 : i32
        %dma_start3A_139 = tpu.memref_slice %arg8[%add3A_137, %dma_start3A_138] : memref<40x128xi32, #tpu.memory_space<vmem>> -> memref<1x128xi32, #tpu.memory_space<vmem>>
        %dma_start3A_140 = tpu.memref_squeeze %dma_start3A_139 : memref<1x128xi32, #tpu.memory_space<vmem>> -> memref<128xi32, #tpu.memory_space<vmem>>
        %dma_start3A_141 = arith.constant 0 : i32
        %dma_start3A_142 = arith.constant 0 : i32
        %dma_start3A_143 = tpu.memref_slice %arg2[%dma_start3A_141, %dma_start3A_142] : memref<10000x128xf32, #tpu.memory_space<hbm>> -> memref<10000x128xf32, #tpu.memory_space<hbm>>
        tpu.enqueue_indirect_dma source(%dma_start3A_143 : memref<10000x128xf32, #tpu.memory_space<hbm>>) target(%arg9 : memref<128x128xf32, #tpu.memory_space<vmem>>) offsets(%dma_start3A_140 : memref<128xi32, #tpu.memory_space<vmem>>) semaphore(%arg12 : memref<!tpu.dma_semaphore, #tpu.memory_space<semaphore_mem>>)
      } else {
      }
      %add3A_134 = arith.constant 1 : i32
      %add3A_135 = arith.addi %mul3A_109, %add3A_134 : i32
      "tpu.region"() ({
        %run_scoped3A = tpu.sem_alloc : memref<!tpu.dma_semaphore, #tpu.memory_space<semaphore_mem>>
        %dma_start3A_136 = arith.constant 0 : i32
        %dma_start3A_137 = tpu.memref_slice %arg7[%add3A_135, %dma_start3A_136] : memref<40x128xi32, #tpu.memory_space<vmem>> -> memref<1x128xi32, #tpu.memory_space<vmem>>
        %dma_start3A_138 = tpu.memref_squeeze %dma_start3A_137 : memref<1x128xi32, #tpu.memory_space<vmem>> -> memref<128xi32, #tpu.memory_space<vmem>>
        %dma_start3A_139 = arith.constant 0 : i32
        %dma_start3A_140 = arith.constant 0 : i32
        %dma_start3A_141 = tpu.memref_slice %arg11[%dma_start3A_139, %dma_start3A_140] : memref<10240x128xf32, #tpu.memory_space<vmem_shared>> -> memref<10240x128xf32, #tpu.memory_space<vmem_shared>>
        tpu.enqueue_indirect_dma source(%arg10 : memref<128x128xf32, #tpu.memory_space<vmem>>) target(%dma_start3A_141 : memref<10240x128xf32, #tpu.memory_space<vmem_shared>>) offsets(%dma_start3A_138 : memref<128xi32, #tpu.memory_space<vmem>>) semaphore(%run_scoped3A : memref<!tpu.dma_semaphore, #tpu.memory_space<semaphore_mem>>) {add = true}
        %dma_wait3A_142 = arith.constant 0 : i32
        %dma_wait3A_143 = tpu.memref_slice %arg7[%add3A_135, %dma_wait3A_142] : memref<40x128xi32, #tpu.memory_space<vmem>> -> memref<1x128xi32, #tpu.memory_space<vmem>>
        %dma_wait3A_144 = tpu.memref_squeeze %dma_wait3A_143 : memref<1x128xi32, #tpu.memory_space<vmem>> -> memref<128xi32, #tpu.memory_space<vmem>>
        %dma_wait3A_145 = arith.constant 0 : i32
        %dma_wait3A_146 = arith.constant 0 : i32
        %dma_wait3A_147 = tpu.memref_slice %arg11[%dma_wait3A_145, %dma_wait3A_146] : memref<10240x128xf32, #tpu.memory_space<vmem_shared>> -> memref<10240x128xf32, #tpu.memory_space<vmem_shared>>
        tpu.wait_indirect_dma semaphore(%run_scoped3A : memref<!tpu.dma_semaphore, #tpu.memory_space<semaphore_mem>>) src(%arg10 : memref<128x128xf32, #tpu.memory_space<vmem>>) dst(%dma_wait3A_147 : memref<10240x128xf32, #tpu.memory_space<vmem_shared>>)
        tpu.yield
      }) : () -> ()
    }
    %scan3A_97 = arith.constant 20 : i32
    %barrier3A_98 = arith.constant 0 : index
    tpu.barrier barrier_id(%barrier3A_98)
    %mul3A_99 = arith.constant 640 : i32
    %mul3A_100 = arith.muli %arg1, %mul3A_99 : i32
    %mul3A_101 = arith.constant 640 : i32
    %mul3A_102 = arith.muli %arg1, %mul3A_101 : i32
    "tpu.region"() ({
      %run_scoped3A = tpu.sem_alloc : memref<!tpu.dma_semaphore, #tpu.memory_space<semaphore_mem>>
      %dma_start3A_103 = arith.constant 0 : i32
      %dma_start3A_104 = arith.constant 0 : i32
      %dma_start3A_105 = tpu.memref_slice %arg6[%arg0, %dma_start3A_103, %dma_start3A_104] : memref<2x10240x128xf32, #tpu.memory_space<hbm>> -> memref<1x10240x128xf32, #tpu.memory_space<hbm>>
      %dma_start3A_106 = tpu.memref_squeeze %dma_start3A_105 : memref<1x10240x128xf32, #tpu.memory_space<hbm>> -> memref<10240x128xf32, #tpu.memory_space<hbm>>
      %dma_start3A_107 = arith.constant 0 : i32
      %dma_start3A_108 = tpu.memref_slice %dma_start3A_106[%mul3A_102, %dma_start3A_107] : memref<10240x128xf32, #tpu.memory_space<hbm>> -> memref<640x128xf32, #tpu.memory_space<hbm>>
      %dma_start3A_109 = arith.constant 0 : i32
      %dma_start3A_110 = tpu.memref_slice %arg11[%mul3A_100, %dma_start3A_109] : memref<10240x128xf32, #tpu.memory_space<vmem_shared>> -> memref<640x128xf32, #tpu.memory_space<vmem_shared>>
      tpu.enqueue_dma source(%dma_start3A_110 : memref<640x128xf32, #tpu.memory_space<vmem_shared>>) target(%dma_start3A_108 : memref<640x128xf32, #tpu.memory_space<hbm>>) target_semaphore(%run_scoped3A : memref<!tpu.dma_semaphore, #tpu.memory_space<semaphore_mem>>)
      %dma_wait3A_111 = arith.constant 0 : i32
      %dma_wait3A_112 = arith.constant 0 : i32
      %dma_wait3A_113 = tpu.memref_slice %arg6[%arg0, %dma_wait3A_111, %dma_wait3A_112] : memref<2x10240x128xf32, #tpu.memory_space<hbm>> -> memref<1x10240x128xf32, #tpu.memory_space<hbm>>
      %dma_wait3A_114 = tpu.memref_squeeze %dma_wait3A_113 : memref<1x10240x128xf32, #tpu.memory_space<hbm>> -> memref<10240x128xf32, #tpu.memory_space<hbm>>
      %dma_wait3A_115 = arith.constant 0 : i32
      %dma_wait3A_116 = tpu.memref_slice %dma_wait3A_114[%mul3A_102, %dma_wait3A_115] : memref<10240x128xf32, #tpu.memory_space<hbm>> -> memref<640x128xf32, #tpu.memory_space<hbm>>
      %dma_wait3A_117 = arith.constant 0 : i32
      %dma_wait3A_118 = tpu.memref_slice %arg11[%mul3A_100, %dma_wait3A_117] : memref<10240x128xf32, #tpu.memory_space<vmem_shared>> -> memref<640x128xf32, #tpu.memory_space<vmem_shared>>
      tpu.wait_dma2 semaphore(%run_scoped3A : memref<!tpu.dma_semaphore, #tpu.memory_space<semaphore_mem>>) src(%dma_wait3A_118 : memref<640x128xf32, #tpu.memory_space<vmem_shared>>) dst(%dma_wait3A_116 : memref<640x128xf32, #tpu.memory_space<hbm>>)
      tpu.yield
    }) : () -> ()
    return
  }
}

module attributes {stable_mosaic.version = 14 : i64} {
  func.func @_mm_relu_body(%arg0: i32, %arg1: memref<1000x128xf32, #tpu.memory_space<vmem>>, %arg2: memref<128x128xf32, #tpu.memory_space<vmem>>, %arg3: memref<1x128xf32, #tpu.memory_space<vmem>>, %arg4: memref<1000x128xf32, #tpu.memory_space<vmem>>) attributes {dimension_semantics = [#tpu.dimension_semantics<arbitrary>], iteration_bounds = array<i64: 10>, scalar_prefetch = 0 : i64, scratch_operands = 0 : i64, tpu.core_type = #tpu.core_type<tc>, window_params = [{transform_indices = @transform_0, window_bounds = array<i64: 1000, 128>}, {pipeline_mode = #tpu.pipeline_mode<synchronous>, transform_indices = @transform_1, window_bounds = array<i64: 128, 128>}, {pipeline_mode = #tpu.pipeline_mode<synchronous>, transform_indices = @transform_2, window_bounds = array<i64: 1, 128>}, {transform_indices = @transform_3, window_bounds = array<i64: 1000, 128>}]} {
    %get3A = arith.constant 0 : index
    %get3A_0 = arith.constant 0 : index
    %get3A_1 = vector.load %arg1[%get3A, %get3A_0] : memref<1000x128xf32, #tpu.memory_space<vmem>>, vector<1000x128xf32>
    %get3A_2 = arith.constant 0 : index
    %get3A_3 = arith.constant 0 : index
    %get3A_4 = vector.load %arg2[%get3A_2, %get3A_3] : memref<128x128xf32, #tpu.memory_space<vmem>>, vector<128x128xf32>
    %dot_general3A = arith.constant dense<0.000000e+00> : vector<1000x128xf32>
    %dot_general3A_5 = tpu.matmul %get3A_1, %get3A_4, %dot_general3A {dimension_numbers = #tpu.dot_dimension_numbers<[1], [0], [0], [1], [0, 0, 1, 1], [], []>, transpose_lhs_hint = false} : vector<1000x128xf32>, vector<128x128xf32>, vector<1000x128xf32> -> vector<1000x128xf32>
    %get3A_6 = arith.constant 0 : index
    %get3A_7 = arith.constant 0 : index
    %get3A_8 = vector.load %arg3[%get3A_6, %get3A_7] : memref<1x128xf32, #tpu.memory_space<vmem>>, vector<1x128xf32>
    %add3A = vector.broadcast %get3A_8 : vector<1x128xf32> to vector<1000x128xf32>
    %add3A_9 = arith.addf %dot_general3A_5, %add3A : vector<1000x128xf32>
    %max3A = arith.constant 0.000000e+00 : f32
    %max3A_10 = vector.broadcast %max3A : f32 to vector<1000x128xf32>
    %max3A_11 = arith.maximumf %add3A_9, %max3A_10 : vector<1000x128xf32>
    %swap3A = arith.constant 0 : index
    %swap3A_12 = arith.constant 0 : index
    %swap3A_13 = vector.load %arg4[%swap3A, %swap3A_12] : memref<1000x128xf32, #tpu.memory_space<vmem>>, vector<1000x128xf32>
    tpu.vector_store %arg4[%swap3A, %swap3A_12], %max3A_11 {strides = array<i32>} : memref<1000x128xf32, #tpu.memory_space<vmem>>, vector<1000x128xf32>,
    return
  }
  func.func @transform_0(%arg0: i32) -> (i32, i32) {
    %c0_i32 = arith.constant 0 : i32
    %c0_i32_0 = arith.constant 0 : i32
    return %arg0, %c0_i32 : i32, i32
  }
  func.func @transform_1(%arg0: i32) -> (i32, i32) {
    %c0_i32 = arith.constant 0 : i32
    %c0_i32_0 = arith.constant 0 : i32
    %c0_i32_1 = arith.constant 0 : i32
    return %c0_i32, %c0_i32_0 : i32, i32
  }
  func.func @transform_2(%arg0: i32) -> (i32, i32) {
    %c0_i32 = arith.constant 0 : i32
    %c0_i32_0 = arith.constant 0 : i32
    %c0_i32_1 = arith.constant 0 : i32
    return %c0_i32, %c0_i32_0 : i32, i32
  }
  func.func @transform_3(%arg0: i32) -> (i32, i32) {
    %c0_i32 = arith.constant 0 : i32
    %c0_i32_0 = arith.constant 0 : i32
    return %arg0, %c0_i32 : i32, i32
  }
}

module attributes {stable_mosaic.version = 14 : i64} {
  func.func @_sum_mm_relu_body(%arg0: i32, %arg1: memref<1x1000x128xf32, #tpu.memory_space<vmem>>, %arg2: memref<1x1000x128xf32, #tpu.memory_space<vmem>>, %arg3: memref<128x128xf32, #tpu.memory_space<vmem>>, %arg4: memref<1x128xf32, #tpu.memory_space<vmem>>, %arg5: memref<1000x128xf32, #tpu.memory_space<vmem>>) attributes {dimension_semantics = [#tpu.dimension_semantics<arbitrary>], iteration_bounds = array<i64: 10>, scalar_prefetch = 0 : i64, scratch_operands = 0 : i64, tpu.core_type = #tpu.core_type<tc>, window_params = [{transform_indices = @transform_0, window_bounds = array<i64: 1, 1000, 128>}, {transform_indices = @transform_1, window_bounds = array<i64: 1, 1000, 128>}, {pipeline_mode = #tpu.pipeline_mode<synchronous>, transform_indices = @transform_2, window_bounds = array<i64: 128, 128>}, {pipeline_mode = #tpu.pipeline_mode<synchronous>, transform_indices = @transform_3, window_bounds = array<i64: 1, 128>}, {transform_indices = @transform_4, window_bounds = array<i64: 1000, 128>}]} {
    %get3A = arith.constant 0 : index
    %get3A_0 = arith.constant 0 : index
    %get3A_1 = arith.constant 0 : index
    %get3A_2 = vector.load %arg1[%get3A, %get3A_0, %get3A_1] : memref<1x1000x128xf32, #tpu.memory_space<vmem>>, vector<1x1000x128xf32>
    %get3A_3 = vector.shape_cast %get3A_2 : vector<1x1000x128xf32> to vector<1000x128xf32>
    %get3A_4 = arith.constant 0 : index
    %get3A_5 = arith.constant 0 : index
    %get3A_6 = arith.constant 0 : index
    %get3A_7 = vector.load %arg2[%get3A_4, %get3A_5, %get3A_6] : memref<1x1000x128xf32, #tpu.memory_space<vmem>>, vector<1x1000x128xf32>
    %get3A_8 = vector.shape_cast %get3A_7 : vector<1x1000x128xf32> to vector<1000x128xf32>
    %add3A = arith.addf %get3A_3, %get3A_8 : vector<1000x128xf32>
    %get3A_9 = arith.constant 0 : index
    %get3A_10 = arith.constant 0 : index
    %get3A_11 = vector.load %arg3[%get3A_9, %get3A_10] : memref<128x128xf32, #tpu.memory_space<vmem>>, vector<128x128xf32>
    %dot_general3A = arith.constant dense<0.000000e+00> : vector<1000x128xf32>
    %dot_general3A_12 = tpu.matmul %add3A, %get3A_11, %dot_general3A {dimension_numbers = #tpu.dot_dimension_numbers<[1], [0], [0], [1], [0, 0, 1, 1], [], []>, transpose_lhs_hint = false} : vector<1000x128xf32>, vector<128x128xf32>, vector<1000x128xf32> -> vector<1000x128xf32>
    %get3A_13 = arith.constant 0 : index
    %get3A_14 = arith.constant 0 : index
    %get3A_15 = vector.load %arg4[%get3A_13, %get3A_14] : memref<1x128xf32, #tpu.memory_space<vmem>>, vector<1x128xf32>
    %add3A_16 = vector.broadcast %get3A_15 : vector<1x128xf32> to vector<1000x128xf32>
    %add3A_17 = arith.addf %dot_general3A_12, %add3A_16 : vector<1000x128xf32>
    %max3A = arith.constant 0.000000e+00 : f32
    %max3A_18 = vector.broadcast %max3A : f32 to vector<1000x128xf32>
    %max3A_19 = arith.maximumf %add3A_17, %max3A_18 : vector<1000x128xf32>
    %swap3A = arith.constant 0 : index
    %swap3A_20 = arith.constant 0 : index
    %swap3A_21 = vector.load %arg5[%swap3A, %swap3A_20] : memref<1000x128xf32, #tpu.memory_space<vmem>>, vector<1000x128xf32>
    tpu.vector_store %arg5[%swap3A, %swap3A_20], %max3A_19 {strides = array<i32>} : memref<1000x128xf32, #tpu.memory_space<vmem>>, vector<1000x128xf32>,
    return
  }
  func.func @transform_0(%arg0: i32) -> (i32, i32, i32) {
    %c0_i32 = arith.constant 0 : i32
    %c0_i32_0 = arith.constant 0 : i32
    %c0_i32_1 = arith.constant 0 : i32
    return %c0_i32, %arg0, %c0_i32_0 : i32, i32, i32
  }
  func.func @transform_1(%arg0: i32) -> (i32, i32, i32) {
    %c1_i32 = arith.constant 1 : i32
    %c0_i32 = arith.constant 0 : i32
    %c0_i32_0 = arith.constant 0 : i32
    return %c1_i32, %arg0, %c0_i32 : i32, i32, i32
  }
  func.func @transform_2(%arg0: i32) -> (i32, i32) {
    %c0_i32 = arith.constant 0 : i32
    %c0_i32_0 = arith.constant 0 : i32
    %c0_i32_1 = arith.constant 0 : i32
    return %c0_i32, %c0_i32_0 : i32, i32
  }
  func.func @transform_3(%arg0: i32) -> (i32, i32) {
    %c0_i32 = arith.constant 0 : i32
    %c0_i32_0 = arith.constant 0 : i32
    %c0_i32_1 = arith.constant 0 : i32
    return %c0_i32, %c0_i32_0 : i32, i32
  }
  func.func @transform_4(%arg0: i32) -> (i32, i32) {
    %c0_i32 = arith.constant 0 : i32
    %c0_i32_0 = arith.constant 0 : i32
    return %arg0, %c0_i32 : i32, i32
  }
}

module attributes {stable_mosaic.version = 14 : i64} {
  func.func @_sum_mm_body(%arg0: i32, %arg1: memref<1x1000x128xf32, #tpu.memory_space<vmem>>, %arg2: memref<1x1000x128xf32, #tpu.memory_space<vmem>>, %arg3: memref<128x64xf32, #tpu.memory_space<vmem>>, %arg4: memref<1x64xf32, #tpu.memory_space<vmem>>, %arg5: memref<1000x64xf32, #tpu.memory_space<vmem>>) attributes {dimension_semantics = [#tpu.dimension_semantics<arbitrary>], iteration_bounds = array<i64: 10>, scalar_prefetch = 0 : i64, scratch_operands = 0 : i64, tpu.core_type = #tpu.core_type<tc>, window_params = [{transform_indices = @transform_0, window_bounds = array<i64: 1, 1000, 128>}, {transform_indices = @transform_1, window_bounds = array<i64: 1, 1000, 128>}, {pipeline_mode = #tpu.pipeline_mode<synchronous>, transform_indices = @transform_2, window_bounds = array<i64: 128, 64>}, {pipeline_mode = #tpu.pipeline_mode<synchronous>, transform_indices = @transform_3, window_bounds = array<i64: 1, 64>}, {transform_indices = @transform_4, window_bounds = array<i64: 1000, 64>}]} {
    %get3A = arith.constant 0 : index
    %get3A_0 = arith.constant 0 : index
    %get3A_1 = arith.constant 0 : index
    %get3A_2 = vector.load %arg1[%get3A, %get3A_0, %get3A_1] : memref<1x1000x128xf32, #tpu.memory_space<vmem>>, vector<1x1000x128xf32>
    %get3A_3 = vector.shape_cast %get3A_2 : vector<1x1000x128xf32> to vector<1000x128xf32>
    %get3A_4 = arith.constant 0 : index
    %get3A_5 = arith.constant 0 : index
    %get3A_6 = arith.constant 0 : index
    %get3A_7 = vector.load %arg2[%get3A_4, %get3A_5, %get3A_6] : memref<1x1000x128xf32, #tpu.memory_space<vmem>>, vector<1x1000x128xf32>
    %get3A_8 = vector.shape_cast %get3A_7 : vector<1x1000x128xf32> to vector<1000x128xf32>
    %add3A = arith.addf %get3A_3, %get3A_8 : vector<1000x128xf32>
    %get3A_9 = arith.constant 0 : index
    %get3A_10 = arith.constant 0 : index
    %get3A_11 = vector.load %arg3[%get3A_9, %get3A_10] : memref<128x64xf32, #tpu.memory_space<vmem>>, vector<128x64xf32>
    %dot_general3A = arith.constant dense<0.000000e+00> : vector<1000x64xf32>
    %dot_general3A_12 = tpu.matmul %add3A, %get3A_11, %dot_general3A {dimension_numbers = #tpu.dot_dimension_numbers<[1], [0], [0], [1], [0, 0, 1, 1], [], []>, transpose_lhs_hint = false} : vector<1000x128xf32>, vector<128x64xf32>, vector<1000x64xf32> -> vector<1000x64xf32>
    %get3A_13 = arith.constant 0 : index
    %get3A_14 = arith.constant 0 : index
    %get3A_15 = vector.load %arg4[%get3A_13, %get3A_14] : memref<1x64xf32, #tpu.memory_space<vmem>>, vector<1x64xf32>
    %add3A_16 = vector.broadcast %get3A_15 : vector<1x64xf32> to vector<1000x64xf32>
    %add3A_17 = arith.addf %dot_general3A_12, %add3A_16 : vector<1000x64xf32>
    %swap3A = arith.constant 0 : index
    %swap3A_18 = arith.constant 0 : index
    %swap3A_19 = vector.load %arg5[%swap3A, %swap3A_18] : memref<1000x64xf32, #tpu.memory_space<vmem>>, vector<1000x64xf32>
    tpu.vector_store %arg5[%swap3A, %swap3A_18], %add3A_17 {strides = array<i32>} : memref<1000x64xf32, #tpu.memory_space<vmem>>, vector<1000x64xf32>,
    return
  }
  func.func @transform_0(%arg0: i32) -> (i32, i32, i32) {
    %c0_i32 = arith.constant 0 : i32
    %c0_i32_0 = arith.constant 0 : i32
    %c0_i32_1 = arith.constant 0 : i32
    return %c0_i32, %arg0, %c0_i32_0 : i32, i32, i32
  }
  func.func @transform_1(%arg0: i32) -> (i32, i32, i32) {
    %c1_i32 = arith.constant 1 : i32
    %c0_i32 = arith.constant 0 : i32
    %c0_i32_0 = arith.constant 0 : i32
    return %c1_i32, %arg0, %c0_i32 : i32, i32, i32
  }
  func.func @transform_2(%arg0: i32) -> (i32, i32) {
    %c0_i32 = arith.constant 0 : i32
    %c0_i32_0 = arith.constant 0 : i32
    %c0_i32_1 = arith.constant 0 : i32
    return %c0_i32, %c0_i32_0 : i32, i32
  }
  func.func @transform_3(%arg0: i32) -> (i32, i32) {
    %c0_i32 = arith.constant 0 : i32
    %c0_i32_0 = arith.constant 0 : i32
    %c0_i32_1 = arith.constant 0 : i32
    return %c0_i32, %c0_i32_0 : i32, i32
  }
  func.func @transform_4(%arg0: i32) -> (i32, i32) {
    %c0_i32 = arith.constant 0 : i32
    %c0_i32_0 = arith.constant 0 : i32
    return %arg0, %c0_i32 : i32, i32
  }
}

</mosaic_0001>

<sc_bundles>
// kernel: kernel.10.cloned.1.call-start
scs
__scs_entry_jumppad:
0x0: {  	(pc) =	sbr.rel $0x88, $3  }
0x1: {  	(tag) =	ssettag $0x0;
	lr =	simm.s32 $0x1  }
0x2: {  	[smem:$0x3F99] =	sst lr;
	_ =	strace $0xD0000000  }
0x3: {  	_ = 	snop  }
0x4: {  	_ = 	snop  }
0x5: {  	_ = 	snop  }
0x6: {  	_ = 	snop  }
0x7: {  	_ = 	snop  }
__scs_overlays_trampoline_lowered:
0x8: {  	[smem:$0x3FA8] =	sst s0  }
0x9: {  	[smem:$0x3FA9] =	sst s1  }
0xa: {  	[smem:$0x3FAA] =	sst s2  }
0xb: {  	[smem:$0x3FAB] =	sst s3  }
0xc: {  	[smem:$0x3FAC] =	sst s4  }
0xd: {  	[smem:$0x3FAD] =	sst s5  }
0xe: {  	[smem:$0x3FAE] =	sst s6  }
0xf: {  	[smem:$0x3FAF] =	sst s7  }
0x10: {  	[smem:$0x3FB0] =	sst s8  }
0x11: {  	[smem:$0x3FB1] =	sst s9;
	s0 =	simm.s32 @!p0 $0x0  }
0x12: {  	s1 =	sld [smem:$0x3F97];
	s0 =	simm.s32 @p0 $0x1  }
0x13: {  	[smem:$0x3FB2] =	sst s0;
	s0 =	simm.s32 @!p1 $0x0  }
0x14: {  	s2 =	sld [smem:$0x3F96];
	s0 =	simm.s32 @p1 $0x1  }
0x15: {  	[smem:$0x3FB3] =	sst s0;
	s0 =	simm.s32 @!p2 $0x0  }
0x16: {  	s3 =	sld [smem:$0x3FDB];
	s0 =	simm.s32 @p2 $0x1  }
0x17: {  	s4 =	simm.s32 $0x1BF5;
	[smem:$0x3FB5] =	sst s0  }
0x18: {  	s0 =	sld [smem:$0x3F98];
	_ =	swait.ge [sflag:s4], $0x0  }
0x19: {  	s7 =	sld [smem:$0x3F99]  }
0x1a: {  	s8 =	sadd.s32 $0xFFFFE003, lr  }
0x1b: {  	s9 =	sadd.s32 $0xFFFFFEF7, lr;
	s5 =	simm.s32 $0xFFFFFFFF;
	p2 =	slt.u32 s8, $0xFFFFF086  }
0x1c: {  	p1 =	slt.u32 s9, $0xF7A;
	s5 =	simm.s32 @!p2 $0x0  }
0x1d: {  	s5 =	simm.s32 @p1 $0x1;
	p0 =	seq.s32 s7, s2  }
0x1e: {  	s7 =	smul.u32 @!p0 $0xF7A, s2;
	p2 =	seq.s32 @!p0 s5, $0x0  }
0x1f: {  	s9 =	smul.u32 $0xF7A, s1;
	s8 =	simm.s32 @!p0 $0x1BF5;
	p2 =	por !p2, p0  }
0x20: {  	[sflag:s8] =	ssyncset.s32 @!p0 $0xFFFFF086;
	s6 =	sadd.s32 @!p0 s3, s7;
	s7 =	simm.s32 @!p0 $0x108  }
0x21: {  	s3 =	sadd.s32 s3, s9;
	s6 =	sadd.s32 @!p0 $0x88, s6;
	s7 =	simm.s32 @p2 $0x1082  }
0x22: {  	[simem:s7], [sflag:s8] =	dma.local @!p0 [hbm:s6], $0xF7A  }
0x23: {  	s9 =	sor.u32 $0xD0000000, s2;
	s6 =	simm.s32 $0x108;
	_ =	swait.ge @!p0 [sflag:s8], $0x0  }
0x24: {  	s3 =	sadd.s32 $0x88, s3;
	s6 =	simm.s32 @!p1 $0x1082;
	[sflag:s4] =	ssyncset.s32 $0xFFFFF086  }
0x25: {  	[simem:s6], [sflag:s4] =	dma.local [hbm:s3], $0xF7A  }
0x26: {  	[smem:$0x3F99] =	sst s1;
	(tag) =	ssettag s2;
	_ =	strace s9  }
0x27: {  	s1 =	sld [smem:$0x3FA9]  }
0x28: {  	s2 =	sld [smem:$0x3FAA]  }
0x29: {  	s4 =	sld [smem:$0x3FAC]  }
0x2a: {  	p0 =	seq.s32 s5, $0x0;
	s5 =	sld [smem:$0x3FAD]  }
0x2b: {  	s6 =	sld [smem:$0x3FAE]  }
0x2c: {  	s7 =	sld [smem:$0x3FAF]  }
0x2d: {  	s3 =	simm.s32 $0x108;
	s8 =	sld [smem:$0x3FB0]  }
0x2e: {  	s3 =	simm.s32 @!p0 $0x1082;
	s9 =	sld [smem:$0x3FB1]  }
0x2f: {  	lr =	sadd.s32 s0, s3;
	s0 =	sld [smem:$0x3FA8]  }
0x30: {  	s3 =	sld [smem:$0x3FAB]  }
0x31: {  	[smem:$0x3FB4] =	sst s10  }
0x32: {  	s10 =	sld [smem:$0x3FB2];
	_ =	sdelay $0x3  }
0x33: {  	p0 =	seq.s32 s10, $0x1;
	s10 =	sld [smem:$0x3FB4];
	_ =	sdelay $0x3  }
0x34: {  	[smem:$0x3FB4] =	sst s10  }
0x35: {  	s10 =	sld [smem:$0x3FB3];
	_ =	sdelay $0x3  }
0x36: {  	p1 =	seq.s32 s10, $0x1;
	s10 =	sld [smem:$0x3FB4];
	_ =	sdelay $0x3  }
0x37: {  	[smem:$0x3FB4] =	sst s10  }
0x38: {  	s10 =	sld [smem:$0x3FB5]  }
0x39: {  	_ = 	snop;
	(pc) =	sbr.ind lr, $3  }
0x3a: {  	_ = 	snop  }
0x3b: {  	_ = 	snop  }
0x3c: {  	p2 =	seq.s32 s10, $0x1;
	s10 =	sld [smem:$0x3FB4]  }
0x3d: {  	_ =	shalt  }
0x3e: {  	_ =	shalt  }
0x3f: {  	_ =	shalt  }
0x40: {  	_ =	shalt  }
0x41: {  	_ =	shalt  }
0x42: {  	_ =	shalt  }
0x43: {  	_ =	shalt  }
0x44: {  	_ =	shalt  }
0x45: {  	_ =	shalt  }
0x46: {  	_ =	shalt  }
0x47: {  	_ =	shalt  }
0x48: {  	_ =	shalt  }
0x49: {  	_ =	shalt  }
0x4a: {  	_ =	shalt  }
0x4b: {  	_ =	shalt  }
0x4c: {  	_ =	shalt  }
0x4d: {  	_ =	shalt  }
0x4e: {  	_ =	shalt  }
0x4f: {  	_ =	shalt  }
0x50: {  	_ =	shalt  }
0x51: {  	_ =	shalt  }
0x52: {  	_ =	shalt  }
0x53: {  	_ =	shalt  }
0x54: {  	_ =	shalt  }
0x55: {  	_ =	shalt  }
0x56: {  	_ =	shalt  }
0x57: {  	_ =	shalt  }
0x58: {  	_ =	shalt  }
0x59: {  	_ =	shalt  }
0x5a: {  	_ =	shalt  }
0x5b: {  	_ =	shalt  }
0x5c: {  	_ =	shalt  }
0x5d: {  	_ =	shalt  }
0x5e: {  	_ =	shalt  }
0x5f: {  	_ =	shalt  }
0x60: {  	_ =	shalt  }
0x61: {  	_ =	shalt  }
0x62: {  	_ =	shalt  }
0x63: {  	_ =	shalt  }
0x64: {  	_ =	shalt  }
0x65: {  	_ =	shalt  }
0x66: {  	_ =	shalt  }
0x67: {  	_ =	shalt  }
0x68: {  	_ =	shalt  }
0x69: {  	_ =	shalt  }
0x6a: {  	_ =	shalt  }
0x6b: {  	_ =	shalt  }
0x6c: {  	_ =	shalt  }
0x6d: {  	_ =	shalt  }
0x6e: {  	_ =	shalt  }
0x6f: {  	_ =	shalt  }
0x70: {  	_ =	shalt  }
0x71: {  	_ =	shalt  }
0x72: {  	_ =	shalt  }
0x73: {  	_ =	shalt  }
0x74: {  	_ =	shalt  }
0x75: {  	_ =	shalt  }
0x76: {  	_ =	shalt  }
0x77: {  	_ =	shalt  }
0x78: {  	_ =	shalt  }
0x79: {  	_ =	shalt  }
0x7a: {  	_ =	shalt  }
0x7b: {  	_ =	shalt  }
0x7c: {  	_ =	shalt  }
0x7d: {  	_ =	shalt  }
0x7e: {  	_ =	shalt  }
0x7f: {  	_ =	shalt  }
0x80: {  	_ =	shalt  }
0x81: {  	_ =	shalt  }
0x82: {  	_ =	shalt  }
0x83: {  	_ =	shalt  }
0x84: {  	_ =	shalt  }
0x85: {  	_ =	shalt  }
0x86: {  	_ =	shalt  }
0x87: {  	_ =	shalt  }
.Lfunc_end0:
.L_simem_size_0:
called_computation.1_lowered:
.L_overlay_start_0:
0x88: {  	s2 =	sld [smem:$0x3FD9]  }
0x89: {  	s3 =	sld [smem:$0x3FFE];
	_ =	sdelay $0x1  }
0x8a: {  	s1 =	srdreg.scid  }
0x8b: {  	s0 =	sand.u32 $0x1, s1  }
0x8c: {  	s17 =	sshll.u32 s0, $0xA;
	s2 =	sadd.s32 s3, s2  }
0x8d: {  	s2 =	sadd.s32 s2, s17  }
0x8e: {  	[smem:$0x3FC0] =	sst s2  }
0x8f: {  	_ = 	snop  }
0x90: {  	s2 =	sld [smem:$0x3FD0];
	(tm) =	ssettm $0x1  }
0x91: {  	s18 =	sld [smem:$0x3FFB];
	_ =	sdelay $0x3  }
0x92: {  	_ =	strace s18  }
0x93: {  	s3 =	sld [smem:$0x3FFC];
	_ =	sdelay $0x3  }
0x94: {  	_ =	strace s3  }
0x95: {  	s3 =	sld [smem:$0x3FFD];
	_ =	sdelay $0x3  }
0x96: {  	_ =	strace s3  }
0x97: {  	_ =	strace $0x8FFFFFFF  }
0x98: {  	s19 =	sld [smem:$0x3FDB];
	_ =	sdelay $0x1  }
0x99: {  	s4 =	simm.s32 $_scs_section_size  }
0x9a: {  	s5 =	simm.s32 $_size__tile_overlayer_lowered;
	s6 =	simm.s32 $_tile_overlayer_lowered  }
0x9b: {  	s22 =	simm.s32 $0x1BFF;
	s21 =	sshll.u32 s6, $0x1;
	s3 =	sadd.s32 s4, s19  }
0x9c: {  	s7 =	simm.s32 $0x0;
	s20 =	sshll.u32 s5, $0x1;
	s5 =	sadd.s32 s21, s3  }
0x9d: {  	[timem:s7], [sflag:s22] =	dma.local [hbm:s5], s20  }
0x9e: {  	_ =	swait.ge [sflag:s22], s20  }
0x9f: {  	s4 =	ssub.s32 $0x0, s20;
	[sflag:s22] =	ssyncset.done $0x0  }
0xa0: {  	[sflag:s22] =	ssyncadd.s32 s4;
	_ =	sdelay $0x1  }
0xa1: {  	s23 =	simm.s32 $0x1B8B  }
0xa2: {  	_ =	swait.ge [sflag:s23], $0x1  }
0xa3: {  	[sflag:s23] =	ssyncset.done $0x0  }
0xa4: {  	s25 =	simm.s32 $0x1B8E;
	s24 =	sld [smem:$0x3FFE];
	[sflag:s23] =	ssyncadd.s32 $0xFFFFFFFF  }
0xa5: {  	s26 =	simm.s32 $execute0_lowered;
	[smem:$0x3FD2] =	sst s25  }
0xa6: {  	s5 =	sshll.u32 s26, $0x1;
	_ =	strace $0x80000049;
	[dreg:$0x1] =	wrdreg $0xFFFFFFFF  }
0xa7: {  	s28 =	simm.s32 $_size_execute0_lowered;
	s3 =	sadd.s32 s3, s5;
	[dreg:$0x0] =	wrdreg $0x0  }
0xa8: {  	s5 =	sshll.u32 s28, $0x1;
	[dreg:$0x2] =	wrdreg s3  }
0xa9: {  	[dreg:$0x3] =	wrdreg s5  }
0xaa: {  	[dreg:$0x4] =	wrdreg $0xC0  }
0xab: {  	_ =	task [dreg:s7], $0x5FFFF  }
0xac: {  	[dreg:$0x1] =	wrdreg $0xFFFFFFFF  }
0xad: {  	[dreg:$0x0] =	wrdreg $0x60  }
0xae: {  	[dreg:$0x2] =	wrdreg s24  }
0xaf: {  	[dreg:$0x3] =	wrdreg s2  }
0xb0: {  	[dreg:$0x4] =	wrdreg $0xA8000  }
0xb1: {  	[dreg:$0x5] =	wrdreg $0x9  }
0xb2: {  	_ =	task.clear_ibuf [dreg:s7], $0x6FFFF;
	_ =	strace $0x90000049  }
0xb3: {  	s29 =	simm.s32 $0x9;
	_ =	strace $0x8000004B  }
0xb4: {  	_ =	swait.ge [sflag:s29], $0x1  }
0xb5: {  	[sflag:s29] =	ssyncadd.s32 $0xFFFFFFFF  }
0xb6: {  	_ =	strace $0x9000004B  }
0xb7: {  	_ =	sfence  }
0xb8: {  	s30 =	sld [smem:$0x0];
	_ =	sdelay $0x2  }
0xb9: {  	s31 =	sshll.u32 s1, $0xD;
	s1 =	sshrl.u32 s1, $0x2  }
0xba: {  	s3 =	sand.u32 $0x4000, s31;
	s1 =	sadd.s32 s1, s30  }
0xbb: {  	s0 =	sor.u32 s3, s0;
	s1 =	sshll.u32 s1, $0x11  }
0xbc: {  	s0 =	sor.u32 s1, s0  }
0xbd: {  	s0 =	sadd.s32 $0x8F2B, s0  }
0xbe: {  	[sflag:s0] =	ssyncadd.remote.s32 $0x1  }
0xbf: {  	_ =	sfence.sel $0xFFFF  }
0xc0: {  	[dreg:$0x0] =	wrdreg $0xFFFFFFFF;
	(pc) =	sbr.abs _section_cstart, $3  }
0xc1: {  	[dreg:$0x1] =	wrdreg $0xFFFFFFFF  }
0xc2: {  	_ =	task.clear_ibuf [dreg:s7], $0x2FFFF;
	_ =	strace $0x9FFFFFFF  }
0xc3: {  	(tm) =	ssettm $0x7FFFFFFF  }
tec
execute0_lowered:
.L_overlay_start_1:
0x0: {  	(tag) =	ssettag $0x1  }
0x1: {  	s6 =	rddreg [dreg:$0x0]  }
0x2: {  	s7 =	rddreg [dreg:$0x1];
	s1 =	srdreg.scid  }
0x3: {  	s0 =	stileid.u32;
	s2 =	rddreg [dreg:$0x2]  }
0x4: {  	s3 =	simm.s32 $0x0;
	s17 =	simm.s32 $0x2800;
	s18 =	simm.s32 $0x3  }
0x5: {  	s19 =	simm.s32 $0x1;
	s20 =	simm.s32 $0x2;
	s21 =	simm.s32 $0x80  }
0x6: {  	s22 =	simm.s32 $0x6800;
	s23 =	simm.s32 $0x2780;
	s26 =	simm.s32 $0x1380  }
0x7: {  	s28 =	simm.s32 $0x0;
	s5 =	sand.u32 $0x1, s1;
	s1 =	rddreg [dreg:$0x3]  }
0x8: {  	s4 =	sshll.u32 s0, $0x1;
	[smem:$0x7FF] =	sst s3;
	s11 =	smul.u32 $0x50000, s0  }
0x9: {  	s25 =	smul.u32 $0x2800, s0;
	s4 =	sor.u32 s5, s4;
	_ =	strace $0x8000004A  }
0xa: {  	s9 =	smul.u32 $0x28000, s5;
	s10 =	ssub.s32 $0x2, s5;
	s5 =	sadd.s32 $0x32A00, s6  }
0xb: {  	s8 =	smul.u32 $0x500, s4;
	s4 =	sadd.s32 $0x1800, s6;
	s12 =	sshrl.u32 s10, $0x1  }
0xc: {  	s31 =	sshrl.u32 s11, $0x2;
	s15 =	sadd.s32 s9, s6;
	s16 =	ssub.s32 s10, s12  }
0xd: {  	s14 =	sadd.s32 s8, s6;
	s6 =	sadd.s32 s7, s8;
	s8 =	sadd.s32 s31, s2  }
0xe: {  	s24 =	sadd.s32 $0x33200, s15;
	s15 =	smax.u32 s16, $0x1;
	s16 =	simm.s32 $0x1400  }
0xf: {  	s7 =	sadd.s32 $0x28A00, s14;
	s9 =	sadd.s32 $0x4000, s8;
	s10 =	sadd.s32 $0x8000, s8  }
0x10: {  	s11 =	sadd.s32 $0xC000, s8;
	s12 =	sadd.s32 $0x10000, s8;
	s13 =	sadd.s32 $0x280, s6  }
0x11: {  	s14 =	sadd.s32 $0x28C80, s14;
	s24 =	sadd.s32 s25, s24;
	s25 =	simm.s32 $0x1300  }
.LBB2_1:
0x12: {  	[tilespmem:s3], [sflag:$0x1] =	stream.linear.gather [hbm4b:s6+s3], $0x1400, $0x38;
	[tilespmem:$0x1E800] =	vst v63  }
0x13: {  	_ = 	snop  }
0x14: {  	[tilespmem:s16], [sflag:$0x2] =	stream.linear.gather [hbm4b:s7+s3], $0x1400, $0x38;
	[tilespmem:$0x1E800] =	vst v63  }
0x15: {  	_ = 	snop  }
0x16: {  	[tilespmem:s17], [sflag:$0x3] =	stream.linear.gather [hbm4b:s5+s3], $0x4000, $0x38;
	[tilespmem:$0x1E800] =	vst v63  }
0x17: {  	_ =	swait.ge [sflag:s18], $0x4000  }
0x18: {  	[sflag:s18] =	ssyncset.done $0x0  }
0x19: {  	[sflag:s18] =	ssyncadd.s32 $0xFFFFC000  }
0x1a: {  	[spmem:s8] =	stream.linear.scatter [tilespmem:s17], [sflag:$0x3], $0x4000, $0x38;
	[tilespmem:$0x1E800] =	vst v63  }
0x1b: {  	_ =	swait.ge [sflag:s18], $0x4000  }
0x1c: {  	[sflag:s18] =	ssyncset.done $0x0  }
0x1d: {  	[sflag:s18] =	ssyncadd.s32 $0xFFFFC000  }
0x1e: {  	[spmem:s9] =	stream.linear.scatter [tilespmem:s17], [sflag:$0x3], $0x4000, $0x38;
	[tilespmem:$0x1E800] =	vst v63  }
0x1f: {  	_ =	swait.ge [sflag:s18], $0x4000  }
0x20: {  	[sflag:s18] =	ssyncset.done $0x0  }
0x21: {  	[sflag:s18] =	ssyncadd.s32 $0xFFFFC000  }
0x22: {  	[spmem:s10] =	stream.linear.scatter [tilespmem:s17], [sflag:$0x3], $0x4000, $0x38;
	[tilespmem:$0x1E800] =	vst v63  }
0x23: {  	_ =	swait.ge [sflag:s18], $0x4000  }
0x24: {  	[sflag:s18] =	ssyncset.done $0x0  }
0x25: {  	[sflag:s18] =	ssyncadd.s32 $0xFFFFC000  }
0x26: {  	[spmem:s11] =	stream.linear.scatter [tilespmem:s17], [sflag:$0x3], $0x4000, $0x38;
	[tilespmem:$0x1E800] =	vst v63  }
0x27: {  	_ =	swait.ge [sflag:s18], $0x4000  }
0x28: {  	[sflag:s18] =	ssyncset.done $0x0  }
0x29: {  	[sflag:s18] =	ssyncadd.s32 $0xFFFFC000  }
0x2a: {  	[spmem:s12] =	stream.linear.scatter [tilespmem:s17], [sflag:$0x3], $0x4000, $0x38;
	[tilespmem:$0x1E800] =	vst v63  }
0x2b: {  	_ =	swait.ge [sflag:s18], $0x4000  }
0x2c: {  	[sflag:s18] =	ssyncset.done $0x0  }
0x2d: {  	[sflag:s18] =	ssyncadd.s32 $0xFFFFC000  }
0x2e: {  	_ =	swait.ge [sflag:s19], $0x1400  }
0x2f: {  	[sflag:s19] =	ssyncset.done $0x0  }
0x30: {  	[sflag:s19] =	ssyncadd.s32 $0xFFFFEC00  }
0x31: {  	_ =	swait.ge [sflag:s20], $0x1400  }
0x32: {  	[sflag:s20] =	ssyncset.done $0x0  }
0x33: {  	[sflag:s20] =	ssyncadd.s32 $0xFFFFEC00  }
0x34: {  	[bflag:$0x0] =	sbarrier.arrive $0xFFFF  }
0x35: {  	[tilespmem:s17], [sflag:$0x1] =	stream.indirect.gather [hbm4b:s4+s21], $0x80, s16, s21, $0xb8;
	[tilespmem:$0x1E800] =	vst v63  }
0x36: {  	_ =	swait.ge [sflag:s19], $0x4000  }
0x37: {  	[sflag:s19] =	ssyncset.done $0x0  }
0x38: {  	s29 =	simm.s32 $0x1480;
	[sflag:s19] =	ssyncadd.s32 $0xFFFFC000  }
0x39: {  	[tilespmem:s22], [sflag:$0x2] =	stream.indirect.gather [hbm4b:s4+s21], $0x80, s29, s21, $0xb8;
	[tilespmem:$0x1E800] =	vst v63  }
0x3a: {  	s29 =	simm.s32 $0x0  }
0x3b: {  	[spmem:s2] =	stream.indirect.scatter.add.f32 [tilespmem:s17], [sflag:$0x3], $0x80, s29, s21, $0xb8;
	[tilespmem:$0x1E800] =	vst v63  }
0x3c: {  	_ =	swait.ge [sflag:s18], $0x4000  }
0x3d: {  	[sflag:s18] =	ssyncset.done $0x0  }
0x3e: {  	[sflag:s18] =	ssyncadd.s32 $0xFFFFC000  }
0x3f: {  	_ =	swait.ge [sflag:s20], $0x4000  }
0x40: {  	[sflag:s20] =	ssyncset.done $0x0  }
0x41: {  	s29 =	simm.s32 $0x1500;
	[sflag:s20] =	ssyncadd.s32 $0xFFFFC000  }
0x42: {  	[tilespmem:s17], [sflag:$0x1] =	stream.indirect.gather [hbm4b:s4+s21], $0x80, s29, s21, $0xb8;
	[tilespmem:$0x1E800] =	vst v63  }
0x43: {  	s29 =	simm.s32 $0x80  }
0x44: {  	[spmem:s2] =	stream.indirect.scatter.add.f32 [tilespmem:s22], [sflag:$0x3], $0x80, s29, s21, $0xb8;
	[tilespmem:$0x1E800] =	vst v63  }
0x45: {  	_ =	swait.ge [sflag:s18], $0x4000  }
0x46: {  	s29 =	simm.s32 $0x400;
	[sflag:s18] =	ssyncset.done $0x0  }
.LBB2_2:
0x47: {  	p0 =	sne.s32 s29, $0x4800  }
0x48: {  	[sflag:s18] =	ssyncadd.s32 $0xFFFFC000;
	s30 =	smov.u32 s29;
	s29 =	sadd.s32 $0x400, s29  }
0x49: {  	_ = 	snop  }
0x4a: {  	_ =	swait.ge [sflag:s19], $0x4000  }
0x4b: {  	s30 =	sshra.s32 s30, $0x2;
	[sflag:s19] =	ssyncset.done $0x0  }
0x4c: {  	s31 =	sadd.s32 $0x1480, s30;
	[sflag:s19] =	ssyncadd.s32 $0xFFFFC000  }
0x4d: {  	[tilespmem:s22], [sflag:$0x2] =	stream.indirect.gather [hbm4b:s4+s21], $0x80, s31, s21, $0xb8;
	[tilespmem:$0x1E800] =	vst v63  }
0x4e: {  	_ = 	snop  }
0x4f: {  	[spmem:s2] =	stream.indirect.scatter.add.f32 [tilespmem:s17], [sflag:$0x3], $0x80, s30, s21, $0xb8;
	[tilespmem:$0x1E800] =	vst v63  }
0x50: {  	_ =	swait.ge [sflag:s18], $0x4000  }
0x51: {  	[sflag:s18] =	ssyncset.done $0x0  }
0x52: {  	[sflag:s18] =	ssyncadd.s32 $0xFFFFC000  }
0x53: {  	_ =	swait.ge [sflag:s20], $0x4000  }
0x54: {  	[sflag:s20] =	ssyncset.done $0x0  }
0x55: {  	s31 =	sadd.s32 $0x1500, s30;
	[sflag:s20] =	ssyncadd.s32 $0xFFFFC000  }
0x56: {  	[tilespmem:s17], [sflag:$0x1] =	stream.indirect.gather [hbm4b:s4+s21], $0x80, s31, s21, $0xb8;
	[tilespmem:$0x1E800] =	vst v63  }
.Ltmp0:
0x57: {  	_ = 	snop;
	(pc) =	sbr.rel @p0 .LBB2_2-.Ltmp0, $4  }
0x58: {  	s30 =	sadd.s32 $0x80, s30  }
0x59: {  	[spmem:s2] =	stream.indirect.scatter.add.f32 [tilespmem:s22], [sflag:$0x3], $0x80, s30, s21, $0xb8;
	[tilespmem:$0x1E800] =	vst v63  }
0x5a: {  	_ =	swait.ge [sflag:s18], $0x4000  }
0x5b: {  	[sflag:s18] =	ssyncset.done $0x0  }
0x5c: {  	[sflag:s18] =	ssyncadd.s32 $0xFFFFC000  }
0x5d: {  	_ =	swait.ge [sflag:s19], $0x4000  }
0x5e: {  	[sflag:s19] =	ssyncset.done $0x0  }
0x5f: {  	[sflag:s19] =	ssyncadd.s32 $0xFFFFC000  }
0x60: {  	[tilespmem:s22], [sflag:$0x2] =	stream.indirect.gather [hbm4b:s4+s21], $0x80, s23, s21, $0xb8;
	[tilespmem:$0x1E800] =	vst v63  }
0x61: {  	_ = 	snop  }
0x62: {  	[spmem:s2] =	stream.indirect.scatter.add.f32 [tilespmem:s17], [sflag:$0x3], $0x80, s25, s21, $0xb8;
	[tilespmem:$0x1E800] =	vst v63  }
0x63: {  	_ =	swait.ge [sflag:s18], $0x4000  }
0x64: {  	[sflag:s18] =	ssyncset.done $0x0  }
0x65: {  	[sflag:s18] =	ssyncadd.s32 $0xFFFFC000  }
0x66: {  	_ =	swait.ge [sflag:s20], $0x4000  }
0x67: {  	[sflag:s20] =	ssyncset.done $0x0  }
0x68: {  	[sflag:s20] =	ssyncadd.s32 $0xFFFFC000  }
0x69: {  	[spmem:s2] =	stream.indirect.scatter.add.f32 [tilespmem:s22], [sflag:$0x3], $0x80, s26, s21, $0xb8;
	[tilespmem:$0x1E800] =	vst v63  }
0x6a: {  	_ =	swait.ge [sflag:s18], $0x4000  }
0x6b: {  	[sflag:s18] =	ssyncset.done $0x0  }
0x6c: {  	s29 =	simm.s32 $0x0;
	[sflag:s18] =	ssyncadd.s32 $0xFFFFC000  }
0x6d: {  	[tilespmem:s29], [sflag:$0x3] =	stream.linear.gather [hbm4b:s13+s29], $0x1400, $0x38;
	[tilespmem:$0x1E800] =	vst v63  }
0x6e: {  	_ =	swait.ge [sflag:s18], $0x1400  }
0x6f: {  	[sflag:s18] =	ssyncset.done $0x0  }
0x70: {  	[sflag:s18] =	ssyncadd.s32 $0xFFFFEC00  }
0x71: {  	[tilespmem:s16], [sflag:$0x3] =	stream.linear.gather [hbm4b:s14+s29], $0x1400, $0x38;
	[tilespmem:$0x1E800] =	vst v63  }
0x72: {  	_ =	swait.ge [sflag:s18], $0x1400  }
0x73: {  	[sflag:s18] =	ssyncset.done $0x0  }
0x74: {  	[sflag:s18] =	ssyncadd.s32 $0xFFFFEC00  }
0x75: {  	[tilespmem:s17], [sflag:$0x1] =	stream.indirect.gather [hbm4b:s4+s21], $0x80, s16, s21, $0xb8;
	[tilespmem:$0x1E800] =	vst v63  }
0x76: {  	_ =	swait.ge [sflag:s19], $0x4000  }
0x77: {  	[sflag:s19] =	ssyncset.done $0x0  }
0x78: {  	s29 =	simm.s32 $0x1480;
	[sflag:s19] =	ssyncadd.s32 $0xFFFFC000  }
0x79: {  	[tilespmem:s22], [sflag:$0x2] =	stream.indirect.gather [hbm4b:s4+s21], $0x80, s29, s21, $0xb8;
	[tilespmem:$0x1E800] =	vst v63  }
0x7a: {  	s29 =	simm.s32 $0x0  }
0x7b: {  	[spmem:s2] =	stream.indirect.scatter.add.f32 [tilespmem:s17], [sflag:$0x3], $0x80, s29, s21, $0xb8;
	[tilespmem:$0x1E800] =	vst v63  }
0x7c: {  	_ =	swait.ge [sflag:s18], $0x4000  }
0x7d: {  	[sflag:s18] =	ssyncset.done $0x0  }
0x7e: {  	[sflag:s18] =	ssyncadd.s32 $0xFFFFC000  }
0x7f: {  	_ =	swait.ge [sflag:s20], $0x4000  }
0x80: {  	[sflag:s20] =	ssyncset.done $0x0  }
0x81: {  	s29 =	simm.s32 $0x1500;
	[sflag:s20] =	ssyncadd.s32 $0xFFFFC000  }
0x82: {  	[tilespmem:s17], [sflag:$0x1] =	stream.indirect.gather [hbm4b:s4+s21], $0x80, s29, s21, $0xb8;
	[tilespmem:$0x1E800] =	vst v63  }
0x83: {  	s29 =	simm.s32 $0x80  }
0x84: {  	[spmem:s2] =	stream.indirect.scatter.add.f32 [tilespmem:s22], [sflag:$0x3], $0x80, s29, s21, $0xb8;
	[tilespmem:$0x1E800] =	vst v63  }
0x85: {  	_ =	swait.ge [sflag:s18], $0x4000  }
0x86: {  	s29 =	simm.s32 $0x400;
	[sflag:s18] =	ssyncset.done $0x0  }
.LBB2_4:
0x87: {  	p0 =	sne.s32 s29, $0x4800  }
0x88: {  	[sflag:s18] =	ssyncadd.s32 $0xFFFFC000;
	s30 =	smov.u32 s29;
	s29 =	sadd.s32 $0x400, s29  }
0x89: {  	_ = 	snop  }
0x8a: {  	_ =	swait.ge [sflag:s19], $0x4000  }
0x8b: {  	s30 =	sshra.s32 s30, $0x2;
	[sflag:s19] =	ssyncset.done $0x0  }
0x8c: {  	s31 =	sadd.s32 $0x1480, s30;
	[sflag:s19] =	ssyncadd.s32 $0xFFFFC000  }
0x8d: {  	[tilespmem:s22], [sflag:$0x2] =	stream.indirect.gather [hbm4b:s4+s21], $0x80, s31, s21, $0xb8;
	[tilespmem:$0x1E800] =	vst v63  }
0x8e: {  	_ = 	snop  }
0x8f: {  	[spmem:s2] =	stream.indirect.scatter.add.f32 [tilespmem:s17], [sflag:$0x3], $0x80, s30, s21, $0xb8;
	[tilespmem:$0x1E800] =	vst v63  }
0x90: {  	_ =	swait.ge [sflag:s18], $0x4000  }
0x91: {  	[sflag:s18] =	ssyncset.done $0x0  }
0x92: {  	[sflag:s18] =	ssyncadd.s32 $0xFFFFC000  }
0x93: {  	_ =	swait.ge [sflag:s20], $0x4000  }
0x94: {  	[sflag:s20] =	ssyncset.done $0x0  }
0x95: {  	s31 =	sadd.s32 $0x1500, s30;
	[sflag:s20] =	ssyncadd.s32 $0xFFFFC000  }
0x96: {  	[tilespmem:s17], [sflag:$0x1] =	stream.indirect.gather [hbm4b:s4+s21], $0x80, s31, s21, $0xb8;
	[tilespmem:$0x1E800] =	vst v63  }
.Ltmp1:
0x97: {  	_ = 	snop;
	(pc) =	sbr.rel @p0 .LBB2_4-.Ltmp1, $4  }
0x98: {  	s30 =	sadd.s32 $0x80, s30  }
0x99: {  	[spmem:s2] =	stream.indirect.scatter.add.f32 [tilespmem:s22], [sflag:$0x3], $0x80, s30, s21, $0xb8;
	[tilespmem:$0x1E800] =	vst v63  }
0x9a: {  	_ =	swait.ge [sflag:s18], $0x4000  }
0x9b: {  	[sflag:s18] =	ssyncset.done $0x0  }
0x9c: {  	[sflag:s18] =	ssyncadd.s32 $0xFFFFC000  }
0x9d: {  	_ =	swait.ge [sflag:s19], $0x4000  }
0x9e: {  	[sflag:s19] =	ssyncset.done $0x0  }
0x9f: {  	[sflag:s19] =	ssyncadd.s32 $0xFFFFC000  }
0xa0: {  	[tilespmem:s22], [sflag:$0x2] =	stream.indirect.gather [hbm4b:s4+s21], $0x80, s23, s21, $0xb8;
	[tilespmem:$0x1E800] =	vst v63  }
0xa1: {  	_ = 	snop  }
0xa2: {  	[spmem:s2] =	stream.indirect.scatter.add.f32 [tilespmem:s17], [sflag:$0x3], $0x80, s25, s21, $0xb8;
	[tilespmem:$0x1E800] =	vst v63  }
0xa3: {  	_ =	swait.ge [sflag:s18], $0x4000  }
0xa4: {  	[sflag:s18] =	ssyncset.done $0x0  }
0xa5: {  	[sflag:s18] =	ssyncadd.s32 $0xFFFFC000  }
0xa6: {  	_ =	swait.ge [sflag:s20], $0x4000  }
0xa7: {  	[sflag:s20] =	ssyncset.done $0x0  }
0xa8: {  	[sflag:s20] =	ssyncadd.s32 $0xFFFFC000  }
0xa9: {  	[spmem:s2] =	stream.indirect.scatter.add.f32 [tilespmem:s22], [sflag:$0x3], $0x80, s26, s21, $0xb8;
	[tilespmem:$0x1E800] =	vst v63  }
0xaa: {  	_ =	swait.ge [sflag:s18], $0x4000  }
0xab: {  	s29 =	sshll.u32 s0, $0x6;
	s28 =	sadd.s32 $0x1, s28;
	[sflag:s18] =	ssyncset.done $0x0  }
0xac: {  	s30 =	sshrl.u32 s8, $0x3;
	p0 =	sne.s32 s28, s15;
	[sflag:s18] =	ssyncadd.s32 $0xFFFFC000  }
.Ltmp2:
0xad: {  	s29 =	sor.u32 $0x1C03, s29;
	[bflag:$0x0] =	sbarrier.arrive $0xFFFF;
	(pc) =	sbr.rel @p0 .LBB2_1-.Ltmp2, $4  }
0xae: {  	[hbm:s24], [sflag:s29] =	dma.local [spmem:s30], $0x2800  }
0xaf: {  	_ =	swait.ge [sflag:s18], $0x2800  }
0xb0: {  	[sflag:s18] =	ssyncset.done $0x0  }
0xb1: {  	[sflag:s18] =	ssyncadd.s32 $0xFFFFD800  }
0xb2: {  	_ =	sfence.sel $0x180000  }
0xb3: {  	[bflag:$0x0] =	sbarrier.arrive $0xFFFF  }
0xb4: {  	p0 =	sne.s32 s0, $0x0;
	_ =	strace $0x9000004A  }
0xb5: {  	s0 =	sadd.s32 @!p0 $0x100000, s1;
	[bflag:$0x2] =	sbarrier.arrive $0xFFFF  }
0xb6: {  	[sflag:s0] =	ssyncadd.tile.s32 @!p0 $0x1;
	_ =	shalt  }
.Lfunc_end2:
_tile_overlayer_lowered:
.L_overlay_start_2:
0xb7: {  	(tag) =	ssettag $0x2  }
0xb8: {  	s0 =	rddreg [dreg:$0x0];
	s2 =	stileid.u32  }
0xb9: {  	s1 =	rddreg [dreg:$0x1];
	p0 =	sne.s32 s2, $0x0  }
0xba: {  	s3 =	rddreg [dreg:$0x2];
	[bflag:$0x3] =	sbarrier.arrive $0xFFFF;
	s2 =	simm.s32 @!p0 $0x1C03  }
0xbb: {  	[timem:s3], [sflag:s2] =	dma.local @!p0 [hbm:s0], s1  }
0xbc: {  	s0 =	simm.s32 @!p0 $0x3  }
0xbd: {  	_ =	swait.ge @!p0 [sflag:s0], s1  }
0xbe: {  	s1 =	ssub.s32 @!p0 $0x0, s1;
	[sflag:s0] =	ssyncset.done @!p0 $0x0  }
0xbf: {  	[sflag:s0] =	ssyncadd.s32 @!p0 s1  }
0xc0: {  	[bflag:$0x3] =	sbarrier.arrive $0xFFFF  }
0xc1: {  	_ =	shalt  }

// kernel: kernel.7.cloned.1.call-start
scs
__scs_entry_jumppad:
0x0: {  	(pc) =	sbr.rel $0x88, $3  }
0x1: {  	(tag) =	ssettag $0x0;
	lr =	simm.s32 $0x1  }
0x2: {  	[smem:$0x3F99] =	sst lr;
	_ =	strace $0xD0000000  }
0x3: {  	_ = 	snop  }
0x4: {  	_ = 	snop  }
0x5: {  	_ = 	snop  }
0x6: {  	_ = 	snop  }
0x7: {  	_ = 	snop  }
__scs_overlays_trampoline_lowered:
0x8: {  	[smem:$0x3FA8] =	sst s0  }
0x9: {  	[smem:$0x3FA9] =	sst s1  }
0xa: {  	[smem:$0x3FAA] =	sst s2  }
0xb: {  	[smem:$0x3FAB] =	sst s3  }
0xc: {  	[smem:$0x3FAC] =	sst s4  }
0xd: {  	[smem:$0x3FAD] =	sst s5  }
0xe: {  	[smem:$0x3FAE] =	sst s6  }
0xf: {  	[smem:$0x3FAF] =	sst s7  }
0x10: {  	[smem:$0x3FB0] =	sst s8  }
0x11: {  	[smem:$0x3FB1] =	sst s9;
	s0 =	simm.s32 @!p0 $0x0  }
0x12: {  	s1 =	sld [smem:$0x3F97];
	s0 =	simm.s32 @p0 $0x1  }
0x13: {  	[smem:$0x3FB2] =	sst s0;
	s0 =	simm.s32 @!p1 $0x0  }
0x14: {  	s2 =	sld [smem:$0x3F96];
	s0 =	simm.s32 @p1 $0x1  }
0x15: {  	[smem:$0x3FB3] =	sst s0;
	s0 =	simm.s32 @!p2 $0x0  }
0x16: {  	s3 =	sld [smem:$0x3FDB];
	s0 =	simm.s32 @p2 $0x1  }
0x17: {  	s4 =	simm.s32 $0x1BF5;
	[smem:$0x3FB5] =	sst s0  }
0x18: {  	s0 =	sld [smem:$0x3F98];
	_ =	swait.ge [sflag:s4], $0x0  }
0x19: {  	s7 =	sld [smem:$0x3F99]  }
0x1a: {  	s8 =	sadd.s32 $0xFFFFE003, lr  }
0x1b: {  	s9 =	sadd.s32 $0xFFFFFEF7, lr;
	s5 =	simm.s32 $0xFFFFFFFF;
	p2 =	slt.u32 s8, $0xFFFFF086  }
0x1c: {  	p1 =	slt.u32 s9, $0xF7A;
	s5 =	simm.s32 @!p2 $0x0  }
0x1d: {  	s5 =	simm.s32 @p1 $0x1;
	p0 =	seq.s32 s7, s2  }
0x1e: {  	s7 =	smul.u32 @!p0 $0xF7A, s2;
	p2 =	seq.s32 @!p0 s5, $0x0  }
0x1f: {  	s9 =	smul.u32 $0xF7A, s1;
	s8 =	simm.s32 @!p0 $0x1BF5;
	p2 =	por !p2, p0  }
0x20: {  	[sflag:s8] =	ssyncset.s32 @!p0 $0xFFFFF086;
	s6 =	sadd.s32 @!p0 s3, s7;
	s7 =	simm.s32 @!p0 $0x108  }
0x21: {  	s3 =	sadd.s32 s3, s9;
	s6 =	sadd.s32 @!p0 $0x88, s6;
	s7 =	simm.s32 @p2 $0x1082  }
0x22: {  	[simem:s7], [sflag:s8] =	dma.local @!p0 [hbm:s6], $0xF7A  }
0x23: {  	s9 =	sor.u32 $0xD0000000, s2;
	s6 =	simm.s32 $0x108;
	_ =	swait.ge @!p0 [sflag:s8], $0x0  }
0x24: {  	s3 =	sadd.s32 $0x88, s3;
	s6 =	simm.s32 @!p1 $0x1082;
	[sflag:s4] =	ssyncset.s32 $0xFFFFF086  }
0x25: {  	[simem:s6], [sflag:s4] =	dma.local [hbm:s3], $0xF7A  }
0x26: {  	[smem:$0x3F99] =	sst s1;
	(tag) =	ssettag s2;
	_ =	strace s9  }
0x27: {  	s1 =	sld [smem:$0x3FA9]  }
0x28: {  	s2 =	sld [smem:$0x3FAA]  }
0x29: {  	s4 =	sld [smem:$0x3FAC]  }
0x2a: {  	p0 =	seq.s32 s5, $0x0;
	s5 =	sld [smem:$0x3FAD]  }
0x2b: {  	s6 =	sld [smem:$0x3FAE]  }
0x2c: {  	s7 =	sld [smem:$0x3FAF]  }
0x2d: {  	s3 =	simm.s32 $0x108;
	s8 =	sld [smem:$0x3FB0]  }
0x2e: {  	s3 =	simm.s32 @!p0 $0x1082;
	s9 =	sld [smem:$0x3FB1]  }
0x2f: {  	lr =	sadd.s32 s0, s3;
	s0 =	sld [smem:$0x3FA8]  }
0x30: {  	s3 =	sld [smem:$0x3FAB]  }
0x31: {  	[smem:$0x3FB4] =	sst s10  }
0x32: {  	s10 =	sld [smem:$0x3FB2];
	_ =	sdelay $0x3  }
0x33: {  	p0 =	seq.s32 s10, $0x1;
	s10 =	sld [smem:$0x3FB4];
	_ =	sdelay $0x3  }
0x34: {  	[smem:$0x3FB4] =	sst s10  }
0x35: {  	s10 =	sld [smem:$0x3FB3];
	_ =	sdelay $0x3  }
0x36: {  	p1 =	seq.s32 s10, $0x1;
	s10 =	sld [smem:$0x3FB4];
	_ =	sdelay $0x3  }
0x37: {  	[smem:$0x3FB4] =	sst s10  }
0x38: {  	s10 =	sld [smem:$0x3FB5]  }
0x39: {  	_ = 	snop;
	(pc) =	sbr.ind lr, $3  }
0x3a: {  	_ = 	snop  }
0x3b: {  	_ = 	snop  }
0x3c: {  	p2 =	seq.s32 s10, $0x1;
	s10 =	sld [smem:$0x3FB4]  }
0x3d: {  	_ =	shalt  }
0x3e: {  	_ =	shalt  }
0x3f: {  	_ =	shalt  }
0x40: {  	_ =	shalt  }
0x41: {  	_ =	shalt  }
0x42: {  	_ =	shalt  }
0x43: {  	_ =	shalt  }
0x44: {  	_ =	shalt  }
0x45: {  	_ =	shalt  }
0x46: {  	_ =	shalt  }
0x47: {  	_ =	shalt  }
0x48: {  	_ =	shalt  }
0x49: {  	_ =	shalt  }
0x4a: {  	_ =	shalt  }
0x4b: {  	_ =	shalt  }
0x4c: {  	_ =	shalt  }
0x4d: {  	_ =	shalt  }
0x4e: {  	_ =	shalt  }
0x4f: {  	_ =	shalt  }
0x50: {  	_ =	shalt  }
0x51: {  	_ =	shalt  }
0x52: {  	_ =	shalt  }
0x53: {  	_ =	shalt  }
0x54: {  	_ =	shalt  }
0x55: {  	_ =	shalt  }
0x56: {  	_ =	shalt  }
0x57: {  	_ =	shalt  }
0x58: {  	_ =	shalt  }
0x59: {  	_ =	shalt  }
0x5a: {  	_ =	shalt  }
0x5b: {  	_ =	shalt  }
0x5c: {  	_ =	shalt  }
0x5d: {  	_ =	shalt  }
0x5e: {  	_ =	shalt  }
0x5f: {  	_ =	shalt  }
0x60: {  	_ =	shalt  }
0x61: {  	_ =	shalt  }
0x62: {  	_ =	shalt  }
0x63: {  	_ =	shalt  }
0x64: {  	_ =	shalt  }
0x65: {  	_ =	shalt  }
0x66: {  	_ =	shalt  }
0x67: {  	_ =	shalt  }
0x68: {  	_ =	shalt  }
0x69: {  	_ =	shalt  }
0x6a: {  	_ =	shalt  }
0x6b: {  	_ =	shalt  }
0x6c: {  	_ =	shalt  }
0x6d: {  	_ =	shalt  }
0x6e: {  	_ =	shalt  }
0x6f: {  	_ =	shalt  }
0x70: {  	_ =	shalt  }
0x71: {  	_ =	shalt  }
0x72: {  	_ =	shalt  }
0x73: {  	_ =	shalt  }
0x74: {  	_ =	shalt  }
0x75: {  	_ =	shalt  }
0x76: {  	_ =	shalt  }
0x77: {  	_ =	shalt  }
0x78: {  	_ =	shalt  }
0x79: {  	_ =	shalt  }
0x7a: {  	_ =	shalt  }
0x7b: {  	_ =	shalt  }
0x7c: {  	_ =	shalt  }
0x7d: {  	_ =	shalt  }
0x7e: {  	_ =	shalt  }
0x7f: {  	_ =	shalt  }
0x80: {  	_ =	shalt  }
0x81: {  	_ =	shalt  }
0x82: {  	_ =	shalt  }
0x83: {  	_ =	shalt  }
0x84: {  	_ =	shalt  }
0x85: {  	_ =	shalt  }
0x86: {  	_ =	shalt  }
0x87: {  	_ =	shalt  }
.Lfunc_end0:
.L_simem_size_0:
called_computation_lowered:
.L_overlay_start_0:
0x88: {  	s2 =	sld [smem:$0x3FD9]  }
0x89: {  	s3 =	sld [smem:$0x3FFE];
	_ =	sdelay $0x1  }
0x8a: {  	s1 =	srdreg.scid  }
0x8b: {  	s0 =	sand.u32 $0x1, s1  }
0x8c: {  	s17 =	sshll.u32 s0, $0xA;
	s2 =	sadd.s32 s3, s2  }
0x8d: {  	s2 =	sadd.s32 s2, s17  }
0x8e: {  	[smem:$0x3FC0] =	sst s2  }
0x8f: {  	_ = 	snop  }
0x90: {  	s2 =	sld [smem:$0x3FD0];
	(tm) =	ssettm $0x1  }
0x91: {  	s18 =	sld [smem:$0x3FFB];
	_ =	sdelay $0x3  }
0x92: {  	_ =	strace s18  }
0x93: {  	s3 =	sld [smem:$0x3FFC];
	_ =	sdelay $0x3  }
0x94: {  	_ =	strace s3  }
0x95: {  	s3 =	sld [smem:$0x3FFD];
	_ =	sdelay $0x3  }
0x96: {  	_ =	strace s3  }
0x97: {  	_ =	strace $0x8FFFFFFF  }
0x98: {  	s19 =	sld [smem:$0x3FDB];
	_ =	sdelay $0x1  }
0x99: {  	s4 =	simm.s32 $_scs_section_size  }
0x9a: {  	s5 =	simm.s32 $_size__tile_overlayer_lowered;
	s6 =	simm.s32 $_tile_overlayer_lowered  }
0x9b: {  	s22 =	simm.s32 $0x1BFF;
	s21 =	sshll.u32 s6, $0x1;
	s3 =	sadd.s32 s4, s19  }
0x9c: {  	s7 =	simm.s32 $0x0;
	s20 =	sshll.u32 s5, $0x1;
	s5 =	sadd.s32 s21, s3  }
0x9d: {  	[timem:s7], [sflag:s22] =	dma.local [hbm:s5], s20  }
0x9e: {  	_ =	swait.ge [sflag:s22], s20  }
0x9f: {  	s4 =	ssub.s32 $0x0, s20;
	[sflag:s22] =	ssyncset.done $0x0  }
0xa0: {  	[sflag:s22] =	ssyncadd.s32 s4;
	_ =	sdelay $0x1  }
0xa1: {  	s23 =	simm.s32 $0x1B8B  }
0xa2: {  	_ =	swait.ge [sflag:s23], $0x1  }
0xa3: {  	[sflag:s23] =	ssyncset.done $0x0  }
0xa4: {  	s25 =	simm.s32 $0x1B8E;
	s24 =	sld [smem:$0x3FFE];
	[sflag:s23] =	ssyncadd.s32 $0xFFFFFFFF  }
0xa5: {  	s26 =	simm.s32 $execute0_lowered;
	[smem:$0x3FD2] =	sst s25  }
0xa6: {  	s5 =	sshll.u32 s26, $0x1;
	_ =	strace $0x80000046;
	[dreg:$0x1] =	wrdreg $0xFFFFFFFF  }
0xa7: {  	s28 =	simm.s32 $_size_execute0_lowered;
	s3 =	sadd.s32 s3, s5;
	[dreg:$0x0] =	wrdreg $0x0  }
0xa8: {  	s5 =	sshll.u32 s28, $0x1;
	[dreg:$0x2] =	wrdreg s3  }
0xa9: {  	[dreg:$0x3] =	wrdreg s5  }
0xaa: {  	[dreg:$0x4] =	wrdreg $0xC0  }
0xab: {  	_ =	task [dreg:s7], $0x5FFFF  }
0xac: {  	[dreg:$0x1] =	wrdreg $0xFFFFFFFF  }
0xad: {  	[dreg:$0x0] =	wrdreg $0x60  }
0xae: {  	[dreg:$0x2] =	wrdreg s24  }
0xaf: {  	[dreg:$0x3] =	wrdreg s2  }
0xb0: {  	[dreg:$0x4] =	wrdreg $0xA8000  }
0xb1: {  	[dreg:$0x5] =	wrdreg $0x9  }
0xb2: {  	_ =	task.clear_ibuf [dreg:s7], $0x6FFFF;
	_ =	strace $0x90000046  }
0xb3: {  	s29 =	simm.s32 $0x9;
	_ =	strace $0x80000048  }
0xb4: {  	_ =	swait.ge [sflag:s29], $0x1  }
0xb5: {  	[sflag:s29] =	ssyncadd.s32 $0xFFFFFFFF  }
0xb6: {  	_ =	strace $0x90000048  }
0xb7: {  	_ =	sfence  }
0xb8: {  	s30 =	sld [smem:$0x0];
	_ =	sdelay $0x2  }
0xb9: {  	s31 =	sshll.u32 s1, $0xD;
	s1 =	sshrl.u32 s1, $0x2  }
0xba: {  	s3 =	sand.u32 $0x4000, s31;
	s1 =	sadd.s32 s1, s30  }
0xbb: {  	s0 =	sor.u32 s3, s0;
	s1 =	sshll.u32 s1, $0x11  }
0xbc: {  	s0 =	sor.u32 s1, s0  }
0xbd: {  	s0 =	sadd.s32 $0x8F2B, s0  }
0xbe: {  	[sflag:s0] =	ssyncadd.remote.s32 $0x1  }
0xbf: {  	_ =	sfence.sel $0xFFFF  }
0xc0: {  	[dreg:$0x0] =	wrdreg $0xFFFFFFFF;
	(pc) =	sbr.abs _section_cstart, $3  }
0xc1: {  	[dreg:$0x1] =	wrdreg $0xFFFFFFFF  }
0xc2: {  	_ =	task.clear_ibuf [dreg:s7], $0x2FFFF;
	_ =	strace $0x9FFFFFFF  }
0xc3: {  	(tm) =	ssettm $0x7FFFFFFF  }
tec
execute0_lowered:
.L_overlay_start_1:
0x0: {  	(tag) =	ssettag $0x1  }
0x1: {  	s6 =	rddreg [dreg:$0x0]  }
0x2: {  	s7 =	rddreg [dreg:$0x1];
	s1 =	srdreg.scid  }
0x3: {  	s0 =	stileid.u32;
	s2 =	rddreg [dreg:$0x2]  }
0x4: {  	s3 =	simm.s32 $0x0;
	s17 =	simm.s32 $0x2800;
	s18 =	simm.s32 $0x3  }
0x5: {  	s19 =	simm.s32 $0x1;
	s20 =	simm.s32 $0x2;
	s21 =	simm.s32 $0x80  }
0x6: {  	s22 =	simm.s32 $0x6800;
	s23 =	simm.s32 $0x2780;
	s26 =	simm.s32 $0x1380  }
0x7: {  	s28 =	simm.s32 $0x0;
	s5 =	sand.u32 $0x1, s1;
	s1 =	rddreg [dreg:$0x3]  }
0x8: {  	s4 =	sshll.u32 s0, $0x1;
	[smem:$0x7FF] =	sst s3;
	s11 =	smul.u32 $0x50000, s0  }
0x9: {  	s25 =	smul.u32 $0x2800, s0;
	s4 =	sor.u32 s5, s4;
	_ =	strace $0x80000047  }
0xa: {  	s9 =	smul.u32 $0x28000, s5;
	s10 =	ssub.s32 $0x2, s5;
	s5 =	sadd.s32 $0x32A00, s6  }
0xb: {  	s8 =	smul.u32 $0x500, s4;
	s4 =	sadd.s32 $0x1800, s6;
	s12 =	sshrl.u32 s10, $0x1  }
0xc: {  	s31 =	sshrl.u32 s11, $0x2;
	s15 =	sadd.s32 s9, s6;
	s16 =	ssub.s32 s10, s12  }
0xd: {  	s14 =	sadd.s32 s8, s6;
	s6 =	sadd.s32 s7, s8;
	s8 =	sadd.s32 s31, s2  }
0xe: {  	s24 =	sadd.s32 $0x33200, s15;
	s15 =	smax.u32 s16, $0x1;
	s16 =	simm.s32 $0x1400  }
0xf: {  	s7 =	sadd.s32 $0x28A00, s14;
	s9 =	sadd.s32 $0x4000, s8;
	s10 =	sadd.s32 $0x8000, s8  }
0x10: {  	s11 =	sadd.s32 $0xC000, s8;
	s12 =	sadd.s32 $0x10000, s8;
	s13 =	sadd.s32 $0x280, s6  }
0x11: {  	s14 =	sadd.s32 $0x28C80, s14;
	s24 =	sadd.s32 s25, s24;
	s25 =	simm.s32 $0x1300  }
.LBB2_1:
0x12: {  	[tilespmem:s3], [sflag:$0x1] =	stream.linear.gather [hbm4b:s6+s3], $0x1400, $0x38;
	[tilespmem:$0x1E800] =	vst v63  }
0x13: {  	_ = 	snop  }
0x14: {  	[tilespmem:s16], [sflag:$0x2] =	stream.linear.gather [hbm4b:s7+s3], $0x1400, $0x38;
	[tilespmem:$0x1E800] =	vst v63  }
0x15: {  	_ = 	snop  }
0x16: {  	[tilespmem:s17], [sflag:$0x3] =	stream.linear.gather [hbm4b:s5+s3], $0x4000, $0x38;
	[tilespmem:$0x1E800] =	vst v63  }
0x17: {  	_ =	swait.ge [sflag:s18], $0x4000  }
0x18: {  	[sflag:s18] =	ssyncset.done $0x0  }
0x19: {  	[sflag:s18] =	ssyncadd.s32 $0xFFFFC000  }
0x1a: {  	[spmem:s8] =	stream.linear.scatter [tilespmem:s17], [sflag:$0x3], $0x4000, $0x38;
	[tilespmem:$0x1E800] =	vst v63  }
0x1b: {  	_ =	swait.ge [sflag:s18], $0x4000  }
0x1c: {  	[sflag:s18] =	ssyncset.done $0x0  }
0x1d: {  	[sflag:s18] =	ssyncadd.s32 $0xFFFFC000  }
0x1e: {  	[spmem:s9] =	stream.linear.scatter [tilespmem:s17], [sflag:$0x3], $0x4000, $0x38;
	[tilespmem:$0x1E800] =	vst v63  }
0x1f: {  	_ =	swait.ge [sflag:s18], $0x4000  }
0x20: {  	[sflag:s18] =	ssyncset.done $0x0  }
0x21: {  	[sflag:s18] =	ssyncadd.s32 $0xFFFFC000  }
0x22: {  	[spmem:s10] =	stream.linear.scatter [tilespmem:s17], [sflag:$0x3], $0x4000, $0x38;
	[tilespmem:$0x1E800] =	vst v63  }
0x23: {  	_ =	swait.ge [sflag:s18], $0x4000  }
0x24: {  	[sflag:s18] =	ssyncset.done $0x0  }
0x25: {  	[sflag:s18] =	ssyncadd.s32 $0xFFFFC000  }
0x26: {  	[spmem:s11] =	stream.linear.scatter [tilespmem:s17], [sflag:$0x3], $0x4000, $0x38;
	[tilespmem:$0x1E800] =	vst v63  }
0x27: {  	_ =	swait.ge [sflag:s18], $0x4000  }
0x28: {  	[sflag:s18] =	ssyncset.done $0x0  }
0x29: {  	[sflag:s18] =	ssyncadd.s32 $0xFFFFC000  }
0x2a: {  	[spmem:s12] =	stream.linear.scatter [tilespmem:s17], [sflag:$0x3], $0x4000, $0x38;
	[tilespmem:$0x1E800] =	vst v63  }
0x2b: {  	_ =	swait.ge [sflag:s18], $0x4000  }
0x2c: {  	[sflag:s18] =	ssyncset.done $0x0  }
0x2d: {  	[sflag:s18] =	ssyncadd.s32 $0xFFFFC000  }
0x2e: {  	_ =	swait.ge [sflag:s19], $0x1400  }
0x2f: {  	[sflag:s19] =	ssyncset.done $0x0  }
0x30: {  	[sflag:s19] =	ssyncadd.s32 $0xFFFFEC00  }
0x31: {  	_ =	swait.ge [sflag:s20], $0x1400  }
0x32: {  	[sflag:s20] =	ssyncset.done $0x0  }
0x33: {  	[sflag:s20] =	ssyncadd.s32 $0xFFFFEC00  }
0x34: {  	[bflag:$0x0] =	sbarrier.arrive $0xFFFF  }
0x35: {  	[tilespmem:s17], [sflag:$0x1] =	stream.indirect.gather [hbm4b:s4+s21], $0x80, s16, s21, $0xb8;
	[tilespmem:$0x1E800] =	vst v63  }
0x36: {  	_ =	swait.ge [sflag:s19], $0x4000  }
0x37: {  	[sflag:s19] =	ssyncset.done $0x0  }
0x38: {  	s29 =	simm.s32 $0x1480;
	[sflag:s19] =	ssyncadd.s32 $0xFFFFC000  }
0x39: {  	[tilespmem:s22], [sflag:$0x2] =	stream.indirect.gather [hbm4b:s4+s21], $0x80, s29, s21, $0xb8;
	[tilespmem:$0x1E800] =	vst v63  }
0x3a: {  	s29 =	simm.s32 $0x0  }
0x3b: {  	[spmem:s2] =	stream.indirect.scatter.add.f32 [tilespmem:s17], [sflag:$0x3], $0x80, s29, s21, $0xb8;
	[tilespmem:$0x1E800] =	vst v63  }
0x3c: {  	_ =	swait.ge [sflag:s18], $0x4000  }
0x3d: {  	[sflag:s18] =	ssyncset.done $0x0  }
0x3e: {  	[sflag:s18] =	ssyncadd.s32 $0xFFFFC000  }
0x3f: {  	_ =	swait.ge [sflag:s20], $0x4000  }
0x40: {  	[sflag:s20] =	ssyncset.done $0x0  }
0x41: {  	s29 =	simm.s32 $0x1500;
	[sflag:s20] =	ssyncadd.s32 $0xFFFFC000  }
0x42: {  	[tilespmem:s17], [sflag:$0x1] =	stream.indirect.gather [hbm4b:s4+s21], $0x80, s29, s21, $0xb8;
	[tilespmem:$0x1E800] =	vst v63  }
0x43: {  	s29 =	simm.s32 $0x80  }
0x44: {  	[spmem:s2] =	stream.indirect.scatter.add.f32 [tilespmem:s22], [sflag:$0x3], $0x80, s29, s21, $0xb8;
	[tilespmem:$0x1E800] =	vst v63  }
0x45: {  	_ =	swait.ge [sflag:s18], $0x4000  }
0x46: {  	s29 =	simm.s32 $0x400;
	[sflag:s18] =	ssyncset.done $0x0  }
.LBB2_2:
0x47: {  	p0 =	sne.s32 s29, $0x4800  }
0x48: {  	[sflag:s18] =	ssyncadd.s32 $0xFFFFC000;
	s30 =	smov.u32 s29;
	s29 =	sadd.s32 $0x400, s29  }
0x49: {  	_ = 	snop  }
0x4a: {  	_ =	swait.ge [sflag:s19], $0x4000  }
0x4b: {  	s30 =	sshra.s32 s30, $0x2;
	[sflag:s19] =	ssyncset.done $0x0  }
0x4c: {  	s31 =	sadd.s32 $0x1480, s30;
	[sflag:s19] =	ssyncadd.s32 $0xFFFFC000  }
0x4d: {  	[tilespmem:s22], [sflag:$0x2] =	stream.indirect.gather [hbm4b:s4+s21], $0x80, s31, s21, $0xb8;
	[tilespmem:$0x1E800] =	vst v63  }
0x4e: {  	_ = 	snop  }
0x4f: {  	[spmem:s2] =	stream.indirect.scatter.add.f32 [tilespmem:s17], [sflag:$0x3], $0x80, s30, s21, $0xb8;
	[tilespmem:$0x1E800] =	vst v63  }
0x50: {  	_ =	swait.ge [sflag:s18], $0x4000  }
0x51: {  	[sflag:s18] =	ssyncset.done $0x0  }
0x52: {  	[sflag:s18] =	ssyncadd.s32 $0xFFFFC000  }
0x53: {  	_ =	swait.ge [sflag:s20], $0x4000  }
0x54: {  	[sflag:s20] =	ssyncset.done $0x0  }
0x55: {  	s31 =	sadd.s32 $0x1500, s30;
	[sflag:s20] =	ssyncadd.s32 $0xFFFFC000  }
0x56: {  	[tilespmem:s17], [sflag:$0x1] =	stream.indirect.gather [hbm4b:s4+s21], $0x80, s31, s21, $0xb8;
	[tilespmem:$0x1E800] =	vst v63  }
.Ltmp0:
0x57: {  	_ = 	snop;
	(pc) =	sbr.rel @p0 .LBB2_2-.Ltmp0, $4  }
0x58: {  	s30 =	sadd.s32 $0x80, s30  }
0x59: {  	[spmem:s2] =	stream.indirect.scatter.add.f32 [tilespmem:s22], [sflag:$0x3], $0x80, s30, s21, $0xb8;
	[tilespmem:$0x1E800] =	vst v63  }
0x5a: {  	_ =	swait.ge [sflag:s18], $0x4000  }
0x5b: {  	[sflag:s18] =	ssyncset.done $0x0  }
0x5c: {  	[sflag:s18] =	ssyncadd.s32 $0xFFFFC000  }
0x5d: {  	_ =	swait.ge [sflag:s19], $0x4000  }
0x5e: {  	[sflag:s19] =	ssyncset.done $0x0  }
0x5f: {  	[sflag:s19] =	ssyncadd.s32 $0xFFFFC000  }
0x60: {  	[tilespmem:s22], [sflag:$0x2] =	stream.indirect.gather [hbm4b:s4+s21], $0x80, s23, s21, $0xb8;
	[tilespmem:$0x1E800] =	vst v63  }
0x61: {  	_ = 	snop  }
0x62: {  	[spmem:s2] =	stream.indirect.scatter.add.f32 [tilespmem:s17], [sflag:$0x3], $0x80, s25, s21, $0xb8;
	[tilespmem:$0x1E800] =	vst v63  }
0x63: {  	_ =	swait.ge [sflag:s18], $0x4000  }
0x64: {  	[sflag:s18] =	ssyncset.done $0x0  }
0x65: {  	[sflag:s18] =	ssyncadd.s32 $0xFFFFC000  }
0x66: {  	_ =	swait.ge [sflag:s20], $0x4000  }
0x67: {  	[sflag:s20] =	ssyncset.done $0x0  }
0x68: {  	[sflag:s20] =	ssyncadd.s32 $0xFFFFC000  }
0x69: {  	[spmem:s2] =	stream.indirect.scatter.add.f32 [tilespmem:s22], [sflag:$0x3], $0x80, s26, s21, $0xb8;
	[tilespmem:$0x1E800] =	vst v63  }
0x6a: {  	_ =	swait.ge [sflag:s18], $0x4000  }
0x6b: {  	[sflag:s18] =	ssyncset.done $0x0  }
0x6c: {  	s29 =	simm.s32 $0x0;
	[sflag:s18] =	ssyncadd.s32 $0xFFFFC000  }
0x6d: {  	[tilespmem:s29], [sflag:$0x3] =	stream.linear.gather [hbm4b:s13+s29], $0x1400, $0x38;
	[tilespmem:$0x1E800] =	vst v63  }
0x6e: {  	_ =	swait.ge [sflag:s18], $0x1400  }
0x6f: {  	[sflag:s18] =	ssyncset.done $0x0  }
0x70: {  	[sflag:s18] =	ssyncadd.s32 $0xFFFFEC00  }
0x71: {  	[tilespmem:s16], [sflag:$0x3] =	stream.linear.gather [hbm4b:s14+s29], $0x1400, $0x38;
	[tilespmem:$0x1E800] =	vst v63  }
0x72: {  	_ =	swait.ge [sflag:s18], $0x1400  }
0x73: {  	[sflag:s18] =	ssyncset.done $0x0  }
0x74: {  	[sflag:s18] =	ssyncadd.s32 $0xFFFFEC00  }
0x75: {  	[tilespmem:s17], [sflag:$0x1] =	stream.indirect.gather [hbm4b:s4+s21], $0x80, s16, s21, $0xb8;
	[tilespmem:$0x1E800] =	vst v63  }
0x76: {  	_ =	swait.ge [sflag:s19], $0x4000  }
0x77: {  	[sflag:s19] =	ssyncset.done $0x0  }
0x78: {  	s29 =	simm.s32 $0x1480;
	[sflag:s19] =	ssyncadd.s32 $0xFFFFC000  }
0x79: {  	[tilespmem:s22], [sflag:$0x2] =	stream.indirect.gather [hbm4b:s4+s21], $0x80, s29, s21, $0xb8;
	[tilespmem:$0x1E800] =	vst v63  }
0x7a: {  	s29 =	simm.s32 $0x0  }
0x7b: {  	[spmem:s2] =	stream.indirect.scatter.add.f32 [tilespmem:s17], [sflag:$0x3], $0x80, s29, s21, $0xb8;
	[tilespmem:$0x1E800] =	vst v63  }
0x7c: {  	_ =	swait.ge [sflag:s18], $0x4000  }
0x7d: {  	[sflag:s18] =	ssyncset.done $0x0  }
0x7e: {  	[sflag:s18] =	ssyncadd.s32 $0xFFFFC000  }
0x7f: {  	_ =	swait.ge [sflag:s20], $0x4000  }
0x80: {  	[sflag:s20] =	ssyncset.done $0x0  }
0x81: {  	s29 =	simm.s32 $0x1500;
	[sflag:s20] =	ssyncadd.s32 $0xFFFFC000  }
0x82: {  	[tilespmem:s17], [sflag:$0x1] =	stream.indirect.gather [hbm4b:s4+s21], $0x80, s29, s21, $0xb8;
	[tilespmem:$0x1E800] =	vst v63  }
0x83: {  	s29 =	simm.s32 $0x80  }
0x84: {  	[spmem:s2] =	stream.indirect.scatter.add.f32 [tilespmem:s22], [sflag:$0x3], $0x80, s29, s21, $0xb8;
	[tilespmem:$0x1E800] =	vst v63  }
0x85: {  	_ =	swait.ge [sflag:s18], $0x4000  }
0x86: {  	s29 =	simm.s32 $0x400;
	[sflag:s18] =	ssyncset.done $0x0  }
.LBB2_4:
0x87: {  	p0 =	sne.s32 s29, $0x4800  }
0x88: {  	[sflag:s18] =	ssyncadd.s32 $0xFFFFC000;
	s30 =	smov.u32 s29;
	s29 =	sadd.s32 $0x400, s29  }
0x89: {  	_ = 	snop  }
0x8a: {  	_ =	swait.ge [sflag:s19], $0x4000  }
0x8b: {  	s30 =	sshra.s32 s30, $0x2;
	[sflag:s19] =	ssyncset.done $0x0  }
0x8c: {  	s31 =	sadd.s32 $0x1480, s30;
	[sflag:s19] =	ssyncadd.s32 $0xFFFFC000  }
0x8d: {  	[tilespmem:s22], [sflag:$0x2] =	stream.indirect.gather [hbm4b:s4+s21], $0x80, s31, s21, $0xb8;
	[tilespmem:$0x1E800] =	vst v63  }
0x8e: {  	_ = 	snop  }
0x8f: {  	[spmem:s2] =	stream.indirect.scatter.add.f32 [tilespmem:s17], [sflag:$0x3], $0x80, s30, s21, $0xb8;
	[tilespmem:$0x1E800] =	vst v63  }
0x90: {  	_ =	swait.ge [sflag:s18], $0x4000  }
0x91: {  	[sflag:s18] =	ssyncset.done $0x0  }
0x92: {  	[sflag:s18] =	ssyncadd.s32 $0xFFFFC000  }
0x93: {  	_ =	swait.ge [sflag:s20], $0x4000  }
0x94: {  	[sflag:s20] =	ssyncset.done $0x0  }
0x95: {  	s31 =	sadd.s32 $0x1500, s30;
	[sflag:s20] =	ssyncadd.s32 $0xFFFFC000  }
0x96: {  	[tilespmem:s17], [sflag:$0x1] =	stream.indirect.gather [hbm4b:s4+s21], $0x80, s31, s21, $0xb8;
	[tilespmem:$0x1E800] =	vst v63  }
.Ltmp1:
0x97: {  	_ = 	snop;
	(pc) =	sbr.rel @p0 .LBB2_4-.Ltmp1, $4  }
0x98: {  	s30 =	sadd.s32 $0x80, s30  }
0x99: {  	[spmem:s2] =	stream.indirect.scatter.add.f32 [tilespmem:s22], [sflag:$0x3], $0x80, s30, s21, $0xb8;
	[tilespmem:$0x1E800] =	vst v63  }
0x9a: {  	_ =	swait.ge [sflag:s18], $0x4000  }
0x9b: {  	[sflag:s18] =	ssyncset.done $0x0  }
0x9c: {  	[sflag:s18] =	ssyncadd.s32 $0xFFFFC000  }
0x9d: {  	_ =	swait.ge [sflag:s19], $0x4000  }
0x9e: {  	[sflag:s19] =	ssyncset.done $0x0  }
0x9f: {  	[sflag:s19] =	ssyncadd.s32 $0xFFFFC000  }
0xa0: {  	[tilespmem:s22], [sflag:$0x2] =	stream.indirect.gather [hbm4b:s4+s21], $0x80, s23, s21, $0xb8;
	[tilespmem:$0x1E800] =	vst v63  }
0xa1: {  	_ = 	snop  }
0xa2: {  	[spmem:s2] =	stream.indirect.scatter.add.f32 [tilespmem:s17], [sflag:$0x3], $0x80, s25, s21, $0xb8;
	[tilespmem:$0x1E800] =	vst v63  }
0xa3: {  	_ =	swait.ge [sflag:s18], $0x4000  }
0xa4: {  	[sflag:s18] =	ssyncset.done $0x0  }
0xa5: {  	[sflag:s18] =	ssyncadd.s32 $0xFFFFC000  }
0xa6: {  	_ =	swait.ge [sflag:s20], $0x4000  }
0xa7: {  	[sflag:s20] =	ssyncset.done $0x0  }
0xa8: {  	[sflag:s20] =	ssyncadd.s32 $0xFFFFC000  }
0xa9: {  	[spmem:s2] =	stream.indirect.scatter.add.f32 [tilespmem:s22], [sflag:$0x3], $0x80, s26, s21, $0xb8;
	[tilespmem:$0x1E800] =	vst v63  }
0xaa: {  	_ =	swait.ge [sflag:s18], $0x4000  }
0xab: {  	s29 =	sshll.u32 s0, $0x6;
	s28 =	sadd.s32 $0x1, s28;
	[sflag:s18] =	ssyncset.done $0x0  }
0xac: {  	s30 =	sshrl.u32 s8, $0x3;
	p0 =	sne.s32 s28, s15;
	[sflag:s18] =	ssyncadd.s32 $0xFFFFC000  }
.Ltmp2:
0xad: {  	s29 =	sor.u32 $0x1C03, s29;
	[bflag:$0x0] =	sbarrier.arrive $0xFFFF;
	(pc) =	sbr.rel @p0 .LBB2_1-.Ltmp2, $4  }
0xae: {  	[hbm:s24], [sflag:s29] =	dma.local [spmem:s30], $0x2800  }
0xaf: {  	_ =	swait.ge [sflag:s18], $0x2800  }
0xb0: {  	[sflag:s18] =	ssyncset.done $0x0  }
0xb1: {  	[sflag:s18] =	ssyncadd.s32 $0xFFFFD800  }
0xb2: {  	_ =	sfence.sel $0x180000  }
0xb3: {  	[bflag:$0x0] =	sbarrier.arrive $0xFFFF  }
0xb4: {  	p0 =	sne.s32 s0, $0x0;
	_ =	strace $0x90000047  }
0xb5: {  	s0 =	sadd.s32 @!p0 $0x100000, s1;
	[bflag:$0x2] =	sbarrier.arrive $0xFFFF  }
0xb6: {  	[sflag:s0] =	ssyncadd.tile.s32 @!p0 $0x1;
	_ =	shalt  }
.Lfunc_end2:
_tile_overlayer_lowered:
.L_overlay_start_2:
0xb7: {  	(tag) =	ssettag $0x2  }
0xb8: {  	s0 =	rddreg [dreg:$0x0];
	s2 =	stileid.u32  }
0xb9: {  	s1 =	rddreg [dreg:$0x1];
	p0 =	sne.s32 s2, $0x0  }
0xba: {  	s3 =	rddreg [dreg:$0x2];
	[bflag:$0x3] =	sbarrier.arrive $0xFFFF;
	s2 =	simm.s32 @!p0 $0x1C03  }
0xbb: {  	[timem:s3], [sflag:s2] =	dma.local @!p0 [hbm:s0], s1  }
0xbc: {  	s0 =	simm.s32 @!p0 $0x3  }
0xbd: {  	_ =	swait.ge @!p0 [sflag:s0], s1  }
0xbe: {  	s1 =	ssub.s32 @!p0 $0x0, s1;
	[sflag:s0] =	ssyncset.done @!p0 $0x0  }
0xbf: {  	[sflag:s0] =	ssyncadd.s32 @!p0 s1  }
0xc0: {  	[bflag:$0x3] =	sbarrier.arrive $0xFFFF  }
0xc1: {  	_ =	shalt  }

</sc_bundles>
